<compile_context>
chip_gen: v7x
topology: tpu7x:2x2x1
jax: 0.10.2.dev20260603
libtpu: 0.0.44.dev20260713+nightly
codegen_flags: <defaults>
</compile_context>

<pallas_src>
import jax
import jax.numpy as jnp
from jax import lax
from jax.experimental import pallas as pl
from jax.experimental.pallas import tpu as pltpu
from jax.experimental.pallas import tpu_sc as plsc

D_MODEL = 1024
N_FEATURES = 131072
BATCH = 4096
K = 64
TOTAL_IDX = BATCH * K
DEATH_THRESHOLD = 0.01

NS = 16
LANES = 16
PER_TILE_IDX = TOTAL_IDX // NS
BINS2 = N_FEATURES // NS
ZEROS_N = N_FEATURES // NS

CH = 4
CHN = PER_TILE_IDX // CH

_NBLK = 8
_BLK = BATCH // _NBLK


def _tc_body(params, x_ref, fm_ref, fsm_ref, means_out, sq_out, norm_out):
    i = pl.program_id(0)
    blk = x_ref[...]
    sq = blk * blk
    csum = jnp.sum(blk, axis=0, keepdims=True)
    cssum = jnp.sum(sq, axis=0, keepdims=True)
    nsum = jnp.sum(jnp.sqrt(jnp.sum(sq, axis=1, keepdims=True)))

    @pl.when(i == 0)
    def _():
        means_out[...] = csum
        sq_out[...] = cssum
        norm_out[0, 0] = nsum

    @pl.when(i > 0)
    def _():
        means_out[...] += csum
        sq_out[...] += cssum
        norm_out[0, 0] += nsum

    @pl.when(i == _NBLK - 1)
    def _():
        wf = params[0]
        scale = params[1]
        means_out[...] = fm_ref[...] * wf + means_out[...] * scale
        sq_out[...] = fsm_ref[...] * wf + sq_out[...] * scale
        norm_out[0, 0] = params[2] * wf + norm_out[0, 0] * scale


def _tc_stats(params_tc, x, feature_means, feature_square_means):
    return pl.pallas_call(
        _tc_body,
        grid=(_NBLK,),
        in_specs=[
            pl.BlockSpec(memory_space=pltpu.SMEM),
            pl.BlockSpec((_BLK, D_MODEL), lambda i: (i, 0)),
            pl.BlockSpec((1, D_MODEL), lambda i: (0, 0)),
            pl.BlockSpec((1, D_MODEL), lambda i: (0, 0)),
        ],
        out_specs=[
            pl.BlockSpec((1, D_MODEL), lambda i: (0, 0)),
            pl.BlockSpec((1, D_MODEL), lambda i: (0, 0)),
            pl.BlockSpec(memory_space=pltpu.SMEM),
        ],
        out_shape=[
            jax.ShapeDtypeStruct((1, D_MODEL), jnp.float32),
            jax.ShapeDtypeStruct((1, D_MODEL), jnp.float32),
            jax.ShapeDtypeStruct((1, 1), jnp.float32),
        ],
        compiler_params=pltpu.CompilerParams(
            dimension_semantics=("arbitrary",)),
    )(params_tc, x, feature_means.reshape(1, D_MODEL),
      feature_square_means.reshape(1, D_MODEL))


def _sc_body(idx_hbm, w_hbm, zeros_hbm,
             cnt_out, nd_out,
             hist,
             idx_v0, idx_v1, idx_v2, idx_v3,
             w_v0, w_v1, w_v2, w_v3,
             nd_v0, nd_v1, nd_v2, nd_v3,
             ones_v,
             semi, semw, semz, sem0):
    idx_vs = [idx_v0, idx_v1, idx_v2, idx_v3]
    w_vs = [w_v0, w_v1, w_v2, w_v3]
    nd_vs = [nd_v0, nd_v1, nd_v2, nd_v3]
    c = lax.axis_index("c")
    s = lax.axis_index("s")

    ibase = s * PER_TILE_IDX
    d_idx = [pltpu.async_copy(idx_hbm.at[pl.ds(ibase + k * CHN, CHN)],
                              idx_vs[k], semi) for k in range(CH)]
    zbase = s * ZEROS_N
    d_z = pltpu.async_copy(zeros_hbm, hist.at[pl.ds(zbase, ZEROS_N)], semz)
    gbase = s * BINS2

    one16 = jnp.full((LANES,), 1, dtype=jnp.int32)
    z16 = jnp.zeros((LANES,), dtype=jnp.int32)
    thr16 = jnp.full((LANES,), DEATH_THRESHOLD, dtype=jnp.float32)

    @pl.when(c == 0)
    def _():
        @pl.loop(0, CHN // LANES, unroll=8)
        def _(j):
            ones_v[pl.ds(j * LANES, LANES)] = one16

        d_z.wait()
        plsc.subcore_barrier()
        for d in d_idx:
            d.wait()
        descs = [pltpu.async_copy(ones_v, hist.at[idx_vs[k]], sem0,
                                  add=True) for k in range(CH)]
        for d in descs:
            d.wait()
        plsc.subcore_barrier()
        pltpu.sync_copy(hist.at[pl.ds(gbase, BINS2)],
                        cnt_out.at[pl.ds(gbase, BINS2)])

    @pl.when(c == 1)
    def _():
        d_w = [pltpu.async_copy(w_hbm.at[pl.ds(ibase + k * CHN, CHN)],
                                w_vs[k], semw) for k in range(CH)]
        descs = []
        for k in range(CH):
            d_w[k].wait()
            wk, ndk = w_vs[k], nd_vs[k]

            @pl.loop(0, CHN // LANES, unroll=8)
            def _(j, wk=wk, ndk=ndk):
                sl = pl.ds(j * LANES, LANES)
                w16 = wk[sl]
                ndk[sl] = jnp.where(w16 > thr16, one16, z16)

            if k == 0:
                d_z.wait()
                plsc.subcore_barrier()
                for d in d_idx:
                    d.wait()
            descs.append(pltpu.async_copy(nd_vs[k], hist.at[idx_vs[k]],
                                          sem0, add=True))
        for d in descs:
            d.wait()
        plsc.subcore_barrier()
        pltpu.sync_copy(hist.at[pl.ds(gbase, BINS2)],
                        nd_out.at[pl.ds(gbase, BINS2)])


_sc_hist = pl.kernel(
    _sc_body,
    out_type=[
        jax.ShapeDtypeStruct((N_FEATURES,), jnp.int32),
        jax.ShapeDtypeStruct((N_FEATURES,), jnp.int32),
    ],
    mesh=plsc.VectorSubcoreMesh(core_axis_name="c", subcore_axis_name="s"),
    scratch_types=[
        pltpu.VMEM_SHARED((N_FEATURES,), jnp.int32),
        pltpu.VMEM((CHN,), jnp.int32),
        pltpu.VMEM((CHN,), jnp.int32),
        pltpu.VMEM((CHN,), jnp.int32),
        pltpu.VMEM((CHN,), jnp.int32),
        pltpu.VMEM((CHN,), jnp.float32),
        pltpu.VMEM((CHN,), jnp.float32),
        pltpu.VMEM((CHN,), jnp.float32),
        pltpu.VMEM((CHN,), jnp.float32),
        pltpu.VMEM((CHN,), jnp.int32),
        pltpu.VMEM((CHN,), jnp.int32),
        pltpu.VMEM((CHN,), jnp.int32),
        pltpu.VMEM((CHN,), jnp.int32),
        pltpu.VMEM((CHN,), jnp.int32),
        pltpu.SemaphoreType.DMA,
        pltpu.SemaphoreType.DMA,
        pltpu.SemaphoreType.DMA,
        pltpu.SemaphoreType.DMA,
    ],
)


def _upd_body(params, fd_ref, ai_ref, cnt_ref, nd_ref, fd_out, ai_out):
    wf = params[0]
    scale = params[1]
    cnt = cnt_ref[...].astype(jnp.float32)
    fd_out[...] = fd_ref[...] * wf + cnt * scale
    nd = nd_ref[...]
    ai_out[...] = jnp.where(nd > 0, jnp.uint32(0), ai_ref[...] + jnp.uint32(1))


def _tc_update(params_tc, feature_density, activated_in, cnt_h, nd_h):
    return pl.pallas_call(
        _upd_body,
        in_specs=[
            pl.BlockSpec(memory_space=pltpu.SMEM),
            pl.BlockSpec((N_FEATURES,), lambda: (0,)),
            pl.BlockSpec((N_FEATURES,), lambda: (0,)),
            pl.BlockSpec((N_FEATURES,), lambda: (0,)),
            pl.BlockSpec((N_FEATURES,), lambda: (0,)),
        ],
        out_specs=[
            pl.BlockSpec((N_FEATURES,), lambda: (0,)),
            pl.BlockSpec((N_FEATURES,), lambda: (0,)),
        ],
        out_shape=[
            jax.ShapeDtypeStruct((N_FEATURES,), jnp.float32),
            jax.ShapeDtypeStruct((N_FEATURES,), jnp.uint32),
        ],
    )(params_tc, feature_density, activated_in, cnt_h, nd_h)


def kernel(x, k_weights, k_indices, feature_density, activated_in,
           feature_means, feature_square_means, avg_norm, n_steps):
    wf = (n_steps / (n_steps + 1)).astype(jnp.float32)
    nwf = (1 / (n_steps + 1)).astype(jnp.float32)

    params_tc = jnp.stack([wf, nwf / BATCH, avg_norm])
    means2, sq2, norm11 = _tc_stats(params_tc, x, feature_means,
                                    feature_square_means)

    zeros_host = jnp.zeros((ZEROS_N,), dtype=jnp.int32)
    cnt_h, nd_h = _sc_hist(k_indices.reshape(TOTAL_IDX),
                           k_weights.reshape(TOTAL_IDX), zeros_host)
    fd_new, ai_new = _tc_update(params_tc, feature_density, activated_in,
                                cnt_h, nd_h)

    return (norm11[0, 0], means2.reshape(D_MODEL), sq2.reshape(D_MODEL),
            fd_new, ai_new)

# --- scband reference (transcript-rebuilt; emitter-appended) ---
"""Pipeline reference for scband-saeinfo-36773509989202 (READ-ONLY COPY).

The authoritative reference and input builder live on the scoring server;
editing this copy changes nothing except your own understanding.
"""

import jax, jax.numpy as jnp
import numpy as np

D_MODEL = 1024
N_FEATURES = 131072
BATCH = 4096
K = 64
TRAIN_BATCH_SIZE = 4096
DEATH_THRESHOLD = 0.01


def setup_inputs(seed: int = 0) -> dict:
    key = jax.random.key(seed)
    ks = jax.random.split(key, 8)
    x = jax.random.normal(ks[0], (BATCH, D_MODEL), dtype=jnp.float32)
    k_weights = jax.random.uniform(ks[1], (BATCH, K), dtype=jnp.float32)
    k_indices = jax.random.randint(ks[2], (BATCH, K), 0, N_FEATURES)
    feature_density = jax.random.uniform(ks[3], (N_FEATURES,), dtype=jnp.float32)
    activated_in = jnp.zeros((N_FEATURES,), dtype=jnp.uint32)
    feature_means = jnp.zeros((D_MODEL,), dtype=jnp.float32)
    feature_square_means = jnp.zeros((D_MODEL,), dtype=jnp.float32)
    avg_norm = jnp.ones((), dtype=jnp.float32)
    n_steps = jnp.asarray(1000, dtype=jnp.uint32)
    return dict(x=x, k_weights=k_weights, k_indices=k_indices,
                feature_density=feature_density, activated_in=activated_in,
                feature_means=feature_means, feature_square_means=feature_square_means,
                avg_norm=avg_norm, n_steps=n_steps)


def reference(x, k_weights, k_indices, feature_density, activated_in,
              feature_means, feature_square_means, avg_norm, n_steps):
    # Faithful translation of SAEInfo.step's statistics/histogram path with
    # config: do_update=True, use_whitening=False, standardize=False.
    weighting_factor = n_steps / (n_steps + 1)
    new_weighting_factor = 1 / (n_steps + 1)

    # preprocess is identity when use_whitening=False
    preprocessed_data = x
    new_avg_norm = jnp.mean(jnp.linalg.norm(preprocessed_data, axis=-1))
    updated_avg_norm = avg_norm * weighting_factor + new_avg_norm * new_weighting_factor
    new_feature_means = jnp.mean(preprocessed_data, axis=0)
    new_feature_square_means = jnp.mean(jnp.square(preprocessed_data), axis=0)
    updated_feature_means = feature_means * weighting_factor + new_feature_means * new_weighting_factor
    updated_feature_square_means = feature_square_means * weighting_factor + new_feature_square_means * new_weighting_factor

    # Histogram binning over feature ids (scatter-add)
    flat_idx = k_indices.flatten()
    activations = jnp.zeros(feature_density.shape, dtype=jnp.uint32).at[flat_idx].add(jnp.uint32(1))
    not_dead = jnp.zeros(feature_density.shape, dtype=jnp.uint32).at[flat_idx].add(
        (k_weights.flatten() > DEATH_THRESHOLD).astype(jnp.uint32))
    new_feature_density = activations / TRAIN_BATCH_SIZE
    updated_feature_density = feature_density * weighting_factor + new_feature_density * new_weighting_factor
    updated_activated_in = jnp.where(not_dead > 0, jnp.uint32(0), activated_in + jnp.uint32(1))

    return (updated_avg_norm, updated_feature_means, updated_feature_square_means,
            updated_feature_density, updated_activated_in)

if __name__ == "__main__":
    import jax
    _d = setup_inputs()
    print(jax.jit(kernel)(*tuple(_d.values())))

</pallas_src>

<mosaic_0001>
#map = affine_map<(d0, d1) -> (0)>
module attributes {stable_mosaic.version = 14 : i64} {
  func.func @_sc_body(%arg0: i32, %arg1: i32, %arg2: memref<262144xi32, #tpu.memory_space<hbm>>, %arg3: memref<262144xf32, #tpu.memory_space<hbm>>, %arg4: memref<8192xi32, #tpu.memory_space<hbm>>, %arg5: memref<131072xi32, #tpu.memory_space<hbm>>, %arg6: memref<131072xi32, #tpu.memory_space<hbm>>, %arg7: memref<131072xi32, #tpu.memory_space<vmem_shared>>, %arg8: memref<4096xi32, #tpu.memory_space<vmem>>, %arg9: memref<4096xi32, #tpu.memory_space<vmem>>, %arg10: memref<4096xi32, #tpu.memory_space<vmem>>, %arg11: memref<4096xi32, #tpu.memory_space<vmem>>, %arg12: memref<4096xf32, #tpu.memory_space<vmem>>, %arg13: memref<4096xf32, #tpu.memory_space<vmem>>, %arg14: memref<4096xf32, #tpu.memory_space<vmem>>, %arg15: memref<4096xf32, #tpu.memory_space<vmem>>, %arg16: memref<4096xi32, #tpu.memory_space<vmem>>, %arg17: memref<4096xi32, #tpu.memory_space<vmem>>, %arg18: memref<4096xi32, #tpu.memory_space<vmem>>, %arg19: memref<4096xi32, #tpu.memory_space<vmem>>, %arg20: memref<4096xi32, #tpu.memory_space<vmem>>, %arg21: memref<!tpu.dma_semaphore, #tpu.memory_space<semaphore_mem>>, %arg22: memref<!tpu.dma_semaphore, #tpu.memory_space<semaphore_mem>>, %arg23: memref<!tpu.dma_semaphore, #tpu.memory_space<semaphore_mem>>, %arg24: memref<!tpu.dma_semaphore, #tpu.memory_space<semaphore_mem>>) attributes {dimension_semantics = [#tpu.dimension_semantics<core_parallel>, #tpu.dimension_semantics<subcore_parallel>], iteration_bounds = array<i64: 2, 16>, scalar_prefetch = 0 : i64, scratch_operands = 18 : i64, tpu.core_type = #tpu.core_type<sc_vector_subcore>, window_params = [{transform_indices = #map}, {transform_indices = #map}, {transform_indices = #map}, {transform_indices = #map}, {transform_indices = #map}]} {
    %mul3A = arith.constant 16384 : i32
    %mul3A_0 = arith.muli %arg1, %mul3A : i32
    %add3A = arith.constant 0 : i32
    %add3A_1 = arith.addi %mul3A_0, %add3A : i32
    %dma_start3A = tpu.memref_slice %arg2[%add3A_1] : memref<262144xi32, #tpu.memory_space<hbm>> -> memref<4096xi32, #tpu.memory_space<hbm>>
    %dma_start3A_2 = tpu.memref_slice %arg2[%add3A_1] : memref<262144xi32, #tpu.memory_space<hbm>> -> memref<4096xi32, #tpu.memory_space<hbm>>
    tpu.enqueue_dma source(%dma_start3A_2 : memref<4096xi32, #tpu.memory_space<hbm>>) target(%arg8 : memref<4096xi32, #tpu.memory_space<vmem>>) target_semaphore(%arg21 : memref<!tpu.dma_semaphore, #tpu.memory_space<semaphore_mem>>)
    %add3A_3 = arith.constant 4096 : i32
    %add3A_4 = arith.addi %mul3A_0, %add3A_3 : i32
    %dma_start3A_5 = tpu.memref_slice %arg2[%add3A_4] : memref<262144xi32, #tpu.memory_space<hbm>> -> memref<4096xi32, #tpu.memory_space<hbm>>
    %dma_start3A_6 = tpu.memref_slice %arg2[%add3A_4] : memref<262144xi32, #tpu.memory_space<hbm>> -> memref<4096xi32, #tpu.memory_space<hbm>>
    tpu.enqueue_dma source(%dma_start3A_6 : memref<4096xi32, #tpu.memory_space<hbm>>) target(%arg9 : memref<4096xi32, #tpu.memory_space<vmem>>) target_semaphore(%arg21 : memref<!tpu.dma_semaphore, #tpu.memory_space<semaphore_mem>>)
    %add3A_7 = arith.constant 8192 : i32
    %add3A_8 = arith.addi %mul3A_0, %add3A_7 : i32
    %dma_start3A_9 = tpu.memref_slice %arg2[%add3A_8] : memref<262144xi32, #tpu.memory_space<hbm>> -> memref<4096xi32, #tpu.memory_space<hbm>>
    %dma_start3A_10 = tpu.memref_slice %arg2[%add3A_8] : memref<262144xi32, #tpu.memory_space<hbm>> -> memref<4096xi32, #tpu.memory_space<hbm>>
    tpu.enqueue_dma source(%dma_start3A_10 : memref<4096xi32, #tpu.memory_space<hbm>>) target(%arg10 : memref<4096xi32, #tpu.memory_space<vmem>>) target_semaphore(%arg21 : memref<!tpu.dma_semaphore, #tpu.memory_space<semaphore_mem>>)
    %add3A_11 = arith.constant 12288 : i32
    %add3A_12 = arith.addi %mul3A_0, %add3A_11 : i32
    %dma_start3A_13 = tpu.memref_slice %arg2[%add3A_12] : memref<262144xi32, #tpu.memory_space<hbm>> -> memref<4096xi32, #tpu.memory_space<hbm>>
    %dma_start3A_14 = tpu.memref_slice %arg2[%add3A_12] : memref<262144xi32, #tpu.memory_space<hbm>> -> memref<4096xi32, #tpu.memory_space<hbm>>
    tpu.enqueue_dma source(%dma_start3A_14 : memref<4096xi32, #tpu.memory_space<hbm>>) target(%arg11 : memref<4096xi32, #tpu.memory_space<vmem>>) target_semaphore(%arg21 : memref<!tpu.dma_semaphore, #tpu.memory_space<semaphore_mem>>)
    %mul3A_15 = arith.constant 8192 : i32
    %mul3A_16 = arith.muli %arg1, %mul3A_15 : i32
    %dma_start3A_17 = tpu.memref_slice %arg7[%mul3A_16] : memref<131072xi32, #tpu.memory_space<vmem_shared>> -> memref<8192xi32, #tpu.memory_space<vmem_shared>>
    tpu.enqueue_dma source(%arg4 : memref<8192xi32, #tpu.memory_space<hbm>>) target(%dma_start3A_17 : memref<8192xi32, #tpu.memory_space<vmem_shared>>) target_semaphore(%arg23 : memref<!tpu.dma_semaphore, #tpu.memory_space<semaphore_mem>>)
    %mul3A_18 = arith.constant 8192 : i32
    %mul3A_19 = arith.muli %arg1, %mul3A_18 : i32
    %broadcast_in_dim3A = arith.constant 1 : i32
    %broadcast_in_dim3A_20 = vector.broadcast %broadcast_in_dim3A : i32 to vector<16xi32>
    %broadcast_in_dim3A_21 = arith.constant 0 : i32
    %broadcast_in_dim3A_22 = vector.broadcast %broadcast_in_dim3A_21 : i32 to vector<16xi32>
    %broadcast_in_dim3A_23 = arith.constant 0.00999999977 : f32
    %broadcast_in_dim3A_24 = vector.broadcast %broadcast_in_dim3A_23 : f32 to vector<16xf32>
    %eq3A = arith.constant 0 : i32
    %eq3A_25 = arith.cmpi eq, %arg0, %eq3A : i32
    %convert_element_type3A = arith.extui %eq3A_25 : i1 to i32
    %cond3A = arith.constant 0 : i32
    %cond3A_26 = arith.cmpi ne, %convert_element_type3A, %cond3A : i32
    scf.if %cond3A_26 {
      %scan3A = arith.constant 0 : i32
      %scan3A_32 = arith.constant 256 : i32
      %scan3A_33 = arith.addi %scan3A, %scan3A_32 : i32
      %scan3A_34 = arith.constant 8 : i32
      scf.for %scan3A_61 = %scan3A to %scan3A_33 step %scan3A_34  : i32 {
        %mul3A_62 = arith.constant 1 : i32
        %mul3A_63 = arith.muli %scan3A_61, %mul3A_62 : i32
        %add3A_64 = arith.constant 0 : i32
        %add3A_65 = arith.addi %add3A_64, %mul3A_63 : i32
        %mul3A_66 = arith.constant 16 : i32
        %mul3A_67 = arith.muli %add3A_65, %mul3A_66 : i32
        %swap3A = arith.index_cast %mul3A_67 : i32 to index
        %swap3A_68 = tpu.vector_load %arg20[%swap3A] {strides = array<i32>} : memref<4096xi32, #tpu.memory_space<vmem>>, vector<16xi32>,
        %swap3A_69 = vector.shape_cast %swap3A_68 : vector<16xi32> to vector<16xi32>
        %swap3A_70 = vector.shape_cast %broadcast_in_dim3A_20 : vector<16xi32> to vector<16xi32>
        tpu.vector_store %arg20[%swap3A], %swap3A_70 {strides = array<i32>} : memref<4096xi32, #tpu.memory_space<vmem>>, vector<16xi32>,
        %scan3A_71 = arith.constant 1 : i32
        %scan3A_72 = arith.addi %scan3A_61, %scan3A_71 : i32
        %mul3A_73 = arith.constant 1 : i32
        %mul3A_74 = arith.muli %scan3A_72, %mul3A_73 : i32
        %add3A_75 = arith.constant 0 : i32
        %add3A_76 = arith.addi %add3A_75, %mul3A_74 : i32
        %mul3A_77 = arith.constant 16 : i32
        %mul3A_78 = arith.muli %add3A_76, %mul3A_77 : i32
        %swap3A_79 = arith.index_cast %mul3A_78 : i32 to index
        %swap3A_80 = tpu.vector_load %arg20[%swap3A_79] {strides = array<i32>} : memref<4096xi32, #tpu.memory_space<vmem>>, vector<16xi32>,
        %swap3A_81 = vector.shape_cast %swap3A_80 : vector<16xi32> to vector<16xi32>
        %swap3A_82 = vector.shape_cast %broadcast_in_dim3A_20 : vector<16xi32> to vector<16xi32>
        tpu.vector_store %arg20[%swap3A_79], %swap3A_82 {strides = array<i32>} : memref<4096xi32, #tpu.memory_space<vmem>>, vector<16xi32>,
        %scan3A_83 = arith.constant 2 : i32
        %scan3A_84 = arith.addi %scan3A_61, %scan3A_83 : i32
        %mul3A_85 = arith.constant 1 : i32
        %mul3A_86 = arith.muli %scan3A_84, %mul3A_85 : i32
        %add3A_87 = arith.constant 0 : i32
        %add3A_88 = arith.addi %add3A_87, %mul3A_86 : i32
        %mul3A_89 = arith.constant 16 : i32
        %mul3A_90 = arith.muli %add3A_88, %mul3A_89 : i32
        %swap3A_91 = arith.index_cast %mul3A_90 : i32 to index
        %swap3A_92 = tpu.vector_load %arg20[%swap3A_91] {strides = array<i32>} : memref<4096xi32, #tpu.memory_space<vmem>>, vector<16xi32>,
        %swap3A_93 = vector.shape_cast %swap3A_92 : vector<16xi32> to vector<16xi32>
        %swap3A_94 = vector.shape_cast %broadcast_in_dim3A_20 : vector<16xi32> to vector<16xi32>
        tpu.vector_store %arg20[%swap3A_91], %swap3A_94 {strides = array<i32>} : memref<4096xi32, #tpu.memory_space<vmem>>, vector<16xi32>,
        %scan3A_95 = arith.constant 3 : i32
        %scan3A_96 = arith.addi %scan3A_61, %scan3A_95 : i32
        %mul3A_97 = arith.constant 1 : i32
        %mul3A_98 = arith.muli %scan3A_96, %mul3A_97 : i32
        %add3A_99 = arith.constant 0 : i32
        %add3A_100 = arith.addi %add3A_99, %mul3A_98 : i32
        %mul3A_101 = arith.constant 16 : i32
        %mul3A_102 = arith.muli %add3A_100, %mul3A_101 : i32
        %swap3A_103 = arith.index_cast %mul3A_102 : i32 to index
        %swap3A_104 = tpu.vector_load %arg20[%swap3A_103] {strides = array<i32>} : memref<4096xi32, #tpu.memory_space<vmem>>, vector<16xi32>,
        %swap3A_105 = vector.shape_cast %swap3A_104 : vector<16xi32> to vector<16xi32>
        %swap3A_106 = vector.shape_cast %broadcast_in_dim3A_20 : vector<16xi32> to vector<16xi32>
        tpu.vector_store %arg20[%swap3A_103], %swap3A_106 {strides = array<i32>} : memref<4096xi32, #tpu.memory_space<vmem>>, vector<16xi32>,
        %scan3A_107 = arith.constant 4 : i32
        %scan3A_108 = arith.addi %scan3A_61, %scan3A_107 : i32
        %mul3A_109 = arith.constant 1 : i32
        %mul3A_110 = arith.muli %scan3A_108, %mul3A_109 : i32
        %add3A_111 = arith.constant 0 : i32
        %add3A_112 = arith.addi %add3A_111, %mul3A_110 : i32
        %mul3A_113 = arith.constant 16 : i32
        %mul3A_114 = arith.muli %add3A_112, %mul3A_113 : i32
        %swap3A_115 = arith.index_cast %mul3A_114 : i32 to index
        %swap3A_116 = tpu.vector_load %arg20[%swap3A_115] {strides = array<i32>} : memref<4096xi32, #tpu.memory_space<vmem>>, vector<16xi32>,
        %swap3A_117 = vector.shape_cast %swap3A_116 : vector<16xi32> to vector<16xi32>
        %swap3A_118 = vector.shape_cast %broadcast_in_dim3A_20 : vector<16xi32> to vector<16xi32>
        tpu.vector_store %arg20[%swap3A_115], %swap3A_118 {strides = array<i32>} : memref<4096xi32, #tpu.memory_space<vmem>>, vector<16xi32>,
        %scan3A_119 = arith.constant 5 : i32
        %scan3A_120 = arith.addi %scan3A_61, %scan3A_119 : i32
        %mul3A_121 = arith.constant 1 : i32
        %mul3A_122 = arith.muli %scan3A_120, %mul3A_121 : i32
        %add3A_123 = arith.constant 0 : i32
        %add3A_124 = arith.addi %add3A_123, %mul3A_122 : i32
        %mul3A_125 = arith.constant 16 : i32
        %mul3A_126 = arith.muli %add3A_124, %mul3A_125 : i32
        %swap3A_127 = arith.index_cast %mul3A_126 : i32 to index
        %swap3A_128 = tpu.vector_load %arg20[%swap3A_127] {strides = array<i32>} : memref<4096xi32, #tpu.memory_space<vmem>>, vector<16xi32>,
        %swap3A_129 = vector.shape_cast %swap3A_128 : vector<16xi32> to vector<16xi32>
        %swap3A_130 = vector.shape_cast %broadcast_in_dim3A_20 : vector<16xi32> to vector<16xi32>
        tpu.vector_store %arg20[%swap3A_127], %swap3A_130 {strides = array<i32>} : memref<4096xi32, #tpu.memory_space<vmem>>, vector<16xi32>,
        %scan3A_131 = arith.constant 6 : i32
        %scan3A_132 = arith.addi %scan3A_61, %scan3A_131 : i32
        %mul3A_133 = arith.constant 1 : i32
        %mul3A_134 = arith.muli %scan3A_132, %mul3A_133 : i32
        %add3A_135 = arith.constant 0 : i32
        %add3A_136 = arith.addi %add3A_135, %mul3A_134 : i32
        %mul3A_137 = arith.constant 16 : i32
        %mul3A_138 = arith.muli %add3A_136, %mul3A_137 : i32
        %swap3A_139 = arith.index_cast %mul3A_138 : i32 to index
        %swap3A_140 = tpu.vector_load %arg20[%swap3A_139] {strides = array<i32>} : memref<4096xi32, #tpu.memory_space<vmem>>, vector<16xi32>,
        %swap3A_141 = vector.shape_cast %swap3A_140 : vector<16xi32> to vector<16xi32>
        %swap3A_142 = vector.shape_cast %broadcast_in_dim3A_20 : vector<16xi32> to vector<16xi32>
        tpu.vector_store %arg20[%swap3A_139], %swap3A_142 {strides = array<i32>} : memref<4096xi32, #tpu.memory_space<vmem>>, vector<16xi32>,
        %scan3A_143 = arith.constant 7 : i32
        %scan3A_144 = arith.addi %scan3A_61, %scan3A_143 : i32
        %mul3A_145 = arith.constant 1 : i32
        %mul3A_146 = arith.muli %scan3A_144, %mul3A_145 : i32
        %add3A_147 = arith.constant 0 : i32
        %add3A_148 = arith.addi %add3A_147, %mul3A_146 : i32
        %mul3A_149 = arith.constant 16 : i32
        %mul3A_150 = arith.muli %add3A_148, %mul3A_149 : i32
        %swap3A_151 = arith.index_cast %mul3A_150 : i32 to index
        %swap3A_152 = tpu.vector_load %arg20[%swap3A_151] {strides = array<i32>} : memref<4096xi32, #tpu.memory_space<vmem>>, vector<16xi32>,
        %swap3A_153 = vector.shape_cast %swap3A_152 : vector<16xi32> to vector<16xi32>
        %swap3A_154 = vector.shape_cast %broadcast_in_dim3A_20 : vector<16xi32> to vector<16xi32>
        tpu.vector_store %arg20[%swap3A_151], %swap3A_154 {strides = array<i32>} : memref<4096xi32, #tpu.memory_space<vmem>>, vector<16xi32>,
      }
      %scan3A_35 = arith.constant 256 : i32
      %dma_wait3A = tpu.memref_slice %arg7[%mul3A_16] : memref<131072xi32, #tpu.memory_space<vmem_shared>> -> memref<8192xi32, #tpu.memory_space<vmem_shared>>
      tpu.wait_dma2 semaphore(%arg23 : memref<!tpu.dma_semaphore, #tpu.memory_space<semaphore_mem>>) src(%arg4 : memref<8192xi32, #tpu.memory_space<hbm>>) dst(%dma_wait3A : memref<8192xi32, #tpu.memory_space<vmem_shared>>)
      %barrier3A = arith.constant 0 : index
      tpu.barrier barrier_id(%barrier3A)
      %dma_wait3A_36 = tpu.memref_slice %arg2[%add3A_1] : memref<262144xi32, #tpu.memory_space<hbm>> -> memref<4096xi32, #tpu.memory_space<hbm>>
      %dma_wait3A_37 = tpu.memref_slice %arg2[%add3A_1] : memref<262144xi32, #tpu.memory_space<hbm>> -> memref<4096xi32, #tpu.memory_space<hbm>>
      tpu.wait_dma2 semaphore(%arg21 : memref<!tpu.dma_semaphore, #tpu.memory_space<semaphore_mem>>) src(%dma_wait3A_37 : memref<4096xi32, #tpu.memory_space<hbm>>) dst(%arg8 : memref<4096xi32, #tpu.memory_space<vmem>>)
      %dma_wait3A_38 = tpu.memref_slice %arg2[%add3A_4] : memref<262144xi32, #tpu.memory_space<hbm>> -> memref<4096xi32, #tpu.memory_space<hbm>>
      %dma_wait3A_39 = tpu.memref_slice %arg2[%add3A_4] : memref<262144xi32, #tpu.memory_space<hbm>> -> memref<4096xi32, #tpu.memory_space<hbm>>
      tpu.wait_dma2 semaphore(%arg21 : memref<!tpu.dma_semaphore, #tpu.memory_space<semaphore_mem>>) src(%dma_wait3A_39 : memref<4096xi32, #tpu.memory_space<hbm>>) dst(%arg9 : memref<4096xi32, #tpu.memory_space<vmem>>)
      %dma_wait3A_40 = tpu.memref_slice %arg2[%add3A_8] : memref<262144xi32, #tpu.memory_space<hbm>> -> memref<4096xi32, #tpu.memory_space<hbm>>
      %dma_wait3A_41 = tpu.memref_slice %arg2[%add3A_8] : memref<262144xi32, #tpu.memory_space<hbm>> -> memref<4096xi32, #tpu.memory_space<hbm>>
      tpu.wait_dma2 semaphore(%arg21 : memref<!tpu.dma_semaphore, #tpu.memory_space<semaphore_mem>>) src(%dma_wait3A_41 : memref<4096xi32, #tpu.memory_space<hbm>>) dst(%arg10 : memref<4096xi32, #tpu.memory_space<vmem>>)
      %dma_wait3A_42 = tpu.memref_slice %arg2[%add3A_12] : memref<262144xi32, #tpu.memory_space<hbm>> -> memref<4096xi32, #tpu.memory_space<hbm>>
      %dma_wait3A_43 = tpu.memref_slice %arg2[%add3A_12] : memref<262144xi32, #tpu.memory_space<hbm>> -> memref<4096xi32, #tpu.memory_space<hbm>>
      tpu.wait_dma2 semaphore(%arg21 : memref<!tpu.dma_semaphore, #tpu.memory_space<semaphore_mem>>) src(%dma_wait3A_43 : memref<4096xi32, #tpu.memory_space<hbm>>) dst(%arg11 : memref<4096xi32, #tpu.memory_space<vmem>>)
      %dma_start3A_44 = arith.constant 0 : i32
      %dma_start3A_45 = tpu.memref_slice %arg7[%dma_start3A_44] : memref<131072xi32, #tpu.memory_space<vmem_shared>> -> memref<131072xi32, #tpu.memory_space<vmem_shared>>
      tpu.enqueue_indirect_dma source(%arg20 : memref<4096xi32, #tpu.memory_space<vmem>>) target(%dma_start3A_45 : memref<131072xi32, #tpu.memory_space<vmem_shared>>) offsets(%arg8 : memref<4096xi32, #tpu.memory_space<vmem>>) semaphore(%arg24 : memref<!tpu.dma_semaphore, #tpu.memory_space<semaphore_mem>>) {add = true}
      %dma_start3A_46 = arith.constant 0 : i32
      %dma_start3A_47 = tpu.memref_slice %arg7[%dma_start3A_46] : memref<131072xi32, #tpu.memory_space<vmem_shared>> -> memref<131072xi32, #tpu.memory_space<vmem_shared>>
      tpu.enqueue_indirect_dma source(%arg20 : memref<4096xi32, #tpu.memory_space<vmem>>) target(%dma_start3A_47 : memref<131072xi32, #tpu.memory_space<vmem_shared>>) offsets(%arg9 : memref<4096xi32, #tpu.memory_space<vmem>>) semaphore(%arg24 : memref<!tpu.dma_semaphore, #tpu.memory_space<semaphore_mem>>) {add = true}
      %dma_start3A_48 = arith.constant 0 : i32
      %dma_start3A_49 = tpu.memref_slice %arg7[%dma_start3A_48] : memref<131072xi32, #tpu.memory_space<vmem_shared>> -> memref<131072xi32, #tpu.memory_space<vmem_shared>>
      tpu.enqueue_indirect_dma source(%arg20 : memref<4096xi32, #tpu.memory_space<vmem>>) target(%dma_start3A_49 : memref<131072xi32, #tpu.memory_space<vmem_shared>>) offsets(%arg10 : memref<4096xi32, #tpu.memory_space<vmem>>) semaphore(%arg24 : memref<!tpu.dma_semaphore, #tpu.memory_space<semaphore_mem>>) {add = true}
      %dma_start3A_50 = arith.constant 0 : i32
      %dma_start3A_51 = tpu.memref_slice %arg7[%dma_start3A_50] : memref<131072xi32, #tpu.memory_space<vmem_shared>> -> memref<131072xi32, #tpu.memory_space<vmem_shared>>
      tpu.enqueue_indirect_dma source(%arg20 : memref<4096xi32, #tpu.memory_space<vmem>>) target(%dma_start3A_51 : memref<131072xi32, #tpu.memory_space<vmem_shared>>) offsets(%arg11 : memref<4096xi32, #tpu.memory_space<vmem>>) semaphore(%arg24 : memref<!tpu.dma_semaphore, #tpu.memory_space<semaphore_mem>>) {add = true}
      %dma_wait3A_52 = arith.constant 0 : i32
      %dma_wait3A_53 = tpu.memref_slice %arg7[%dma_wait3A_52] : memref<131072xi32, #tpu.memory_space<vmem_shared>> -> memref<131072xi32, #tpu.memory_space<vmem_shared>>
      tpu.wait_indirect_dma semaphore(%arg24 : memref<!tpu.dma_semaphore, #tpu.memory_space<semaphore_mem>>) src(%arg20 : memref<4096xi32, #tpu.memory_space<vmem>>) dst(%dma_wait3A_53 : memref<131072xi32, #tpu.memory_space<vmem_shared>>)
      %dma_wait3A_54 = arith.constant 0 : i32
      %dma_wait3A_55 = tpu.memref_slice %arg7[%dma_wait3A_54] : memref<131072xi32, #tpu.memory_space<vmem_shared>> -> memref<131072xi32, #tpu.memory_space<vmem_shared>>
      tpu.wait_indirect_dma semaphore(%arg24 : memref<!tpu.dma_semaphore, #tpu.memory_space<semaphore_mem>>) src(%arg20 : memref<4096xi32, #tpu.memory_space<vmem>>) dst(%dma_wait3A_55 : memref<131072xi32, #tpu.memory_space<vmem_shared>>)
      %dma_wait3A_56 = arith.constant 0 : i32
      %dma_wait3A_57 = tpu.memref_slice %arg7[%dma_wait3A_56] : memref<131072xi32, #tpu.memory_space<vmem_shared>> -> memref<131072xi32, #tpu.memory_space<vmem_shared>>
      tpu.wait_indirect_dma semaphore(%arg24 : memref<!tpu.dma_semaphore, #tpu.memory_space<semaphore_mem>>) src(%arg20 : memref<4096xi32, #tpu.memory_space<vmem>>) dst(%dma_wait3A_57 : memref<131072xi32, #tpu.memory_space<vmem_shared>>)
      %dma_wait3A_58 = arith.constant 0 : i32
      %dma_wait3A_59 = tpu.memref_slice %arg7[%dma_wait3A_58] : memref<131072xi32, #tpu.memory_space<vmem_shared>> -> memref<131072xi32, #tpu.memory_space<vmem_shared>>
      tpu.wait_indirect_dma semaphore(%arg24 : memref<!tpu.dma_semaphore, #tpu.memory_space<semaphore_mem>>) src(%arg20 : memref<4096xi32, #tpu.memory_space<vmem>>) dst(%dma_wait3A_59 : memref<131072xi32, #tpu.memory_space<vmem_shared>>)
      %barrier3A_60 = arith.constant 0 : index
      tpu.barrier barrier_id(%barrier3A_60)
      "tpu.region"() ({
        %run_scoped3A = tpu.sem_alloc : memref<!tpu.dma_semaphore, #tpu.memory_space<semaphore_mem>>
        %dma_start3A_61 = tpu.memref_slice %arg5[%mul3A_19] : memref<131072xi32, #tpu.memory_space<hbm>> -> memref<8192xi32, #tpu.memory_space<hbm>>
        %dma_start3A_62 = tpu.memref_slice %arg7[%mul3A_19] : memref<131072xi32, #tpu.memory_space<vmem_shared>> -> memref<8192xi32, #tpu.memory_space<vmem_shared>>
        tpu.enqueue_dma source(%dma_start3A_62 : memref<8192xi32, #tpu.memory_space<vmem_shared>>) target(%dma_start3A_61 : memref<8192xi32, #tpu.memory_space<hbm>>) target_semaphore(%run_scoped3A : memref<!tpu.dma_semaphore, #tpu.memory_space<semaphore_mem>>)
        %dma_wait3A_63 = tpu.memref_slice %arg5[%mul3A_19] : memref<131072xi32, #tpu.memory_space<hbm>> -> memref<8192xi32, #tpu.memory_space<hbm>>
        %dma_wait3A_64 = tpu.memref_slice %arg7[%mul3A_19] : memref<131072xi32, #tpu.memory_space<vmem_shared>> -> memref<8192xi32, #tpu.memory_space<vmem_shared>>
        tpu.wait_dma2 semaphore(%run_scoped3A : memref<!tpu.dma_semaphore, #tpu.memory_space<semaphore_mem>>) src(%dma_wait3A_64 : memref<8192xi32, #tpu.memory_space<vmem_shared>>) dst(%dma_wait3A_63 : memref<8192xi32, #tpu.memory_space<hbm>>)
        tpu.yield
      }) : () -> ()
    } else {
    }
    %eq3A_27 = arith.constant 1 : i32
    %eq3A_28 = arith.cmpi eq, %arg0, %eq3A_27 : i32
    %convert_element_type3A_29 = arith.extui %eq3A_28 : i1 to i32
    %cond3A_30 = arith.constant 0 : i32
    %cond3A_31 = arith.cmpi ne, %convert_element_type3A_29, %cond3A_30 : i32
    scf.if %cond3A_31 {
      %add3A_32 = arith.constant 0 : i32
      %add3A_33 = arith.addi %mul3A_0, %add3A_32 : i32
      %dma_start3A_34 = tpu.memref_slice %arg3[%add3A_33] : memref<262144xf32, #tpu.memory_space<hbm>> -> memref<4096xf32, #tpu.memory_space<hbm>>
      %dma_start3A_35 = tpu.memref_slice %arg3[%add3A_33] : memref<262144xf32, #tpu.memory_space<hbm>> -> memref<4096xf32, #tpu.memory_space<hbm>>
      tpu.enqueue_dma source(%dma_start3A_35 : memref<4096xf32, #tpu.memory_space<hbm>>) target(%arg12 : memref<4096xf32, #tpu.memory_space<vmem>>) target_semaphore(%arg22 : memref<!tpu.dma_semaphore, #tpu.memory_space<semaphore_mem>>)
      %add3A_36 = arith.constant 4096 : i32
      %add3A_37 = arith.addi %mul3A_0, %add3A_36 : i32
      %dma_start3A_38 = tpu.memref_slice %arg3[%add3A_37] : memref<262144xf32, #tpu.memory_space<hbm>> -> memref<4096xf32, #tpu.memory_space<hbm>>
      %dma_start3A_39 = tpu.memref_slice %arg3[%add3A_37] : memref<262144xf32, #tpu.memory_space<hbm>> -> memref<4096xf32, #tpu.memory_space<hbm>>
      tpu.enqueue_dma source(%dma_start3A_39 : memref<4096xf32, #tpu.memory_space<hbm>>) target(%arg13 : memref<4096xf32, #tpu.memory_space<vmem>>) target_semaphore(%arg22 : memref<!tpu.dma_semaphore, #tpu.memory_space<semaphore_mem>>)
      %add3A_40 = arith.constant 8192 : i32
      %add3A_41 = arith.addi %mul3A_0, %add3A_40 : i32
      %dma_start3A_42 = tpu.memref_slice %arg3[%add3A_41] : memref<262144xf32, #tpu.memory_space<hbm>> -> memref<4096xf32, #tpu.memory_space<hbm>>
      %dma_start3A_43 = tpu.memref_slice %arg3[%add3A_41] : memref<262144xf32, #tpu.memory_space<hbm>> -> memref<4096xf32, #tpu.memory_space<hbm>>
      tpu.enqueue_dma source(%dma_start3A_43 : memref<4096xf32, #tpu.memory_space<hbm>>) target(%arg14 : memref<4096xf32, #tpu.memory_space<vmem>>) target_semaphore(%arg22 : memref<!tpu.dma_semaphore, #tpu.memory_space<semaphore_mem>>)
      %add3A_44 = arith.constant 12288 : i32
      %add3A_45 = arith.addi %mul3A_0, %add3A_44 : i32
      %dma_start3A_46 = tpu.memref_slice %arg3[%add3A_45] : memref<262144xf32, #tpu.memory_space<hbm>> -> memref<4096xf32, #tpu.memory_space<hbm>>
      %dma_start3A_47 = tpu.memref_slice %arg3[%add3A_45] : memref<262144xf32, #tpu.memory_space<hbm>> -> memref<4096xf32, #tpu.memory_space<hbm>>
      tpu.enqueue_dma source(%dma_start3A_47 : memref<4096xf32, #tpu.memory_space<hbm>>) target(%arg15 : memref<4096xf32, #tpu.memory_space<vmem>>) target_semaphore(%arg22 : memref<!tpu.dma_semaphore, #tpu.memory_space<semaphore_mem>>)
      %dma_wait3A = tpu.memref_slice %arg3[%add3A_33] : memref<262144xf32, #tpu.memory_space<hbm>> -> memref<4096xf32, #tpu.memory_space<hbm>>
      %dma_wait3A_48 = tpu.memref_slice %arg3[%add3A_33] : memref<262144xf32, #tpu.memory_space<hbm>> -> memref<4096xf32, #tpu.memory_space<hbm>>
      tpu.wait_dma2 semaphore(%arg22 : memref<!tpu.dma_semaphore, #tpu.memory_space<semaphore_mem>>) src(%dma_wait3A_48 : memref<4096xf32, #tpu.memory_space<hbm>>) dst(%arg12 : memref<4096xf32, #tpu.memory_space<vmem>>)
      %scan3A = arith.constant 0 : i32
      %scan3A_49 = arith.constant 256 : i32
      %scan3A_50 = arith.addi %scan3A, %scan3A_49 : i32
      %scan3A_51 = arith.constant 8 : i32
      scf.for %scan3A_100 = %scan3A to %scan3A_50 step %scan3A_51  : i32 {
        %mul3A_101 = arith.constant 1 : i32
        %mul3A_102 = arith.muli %scan3A_100, %mul3A_101 : i32
        %add3A_103 = arith.constant 0 : i32
        %add3A_104 = arith.addi %add3A_103, %mul3A_102 : i32
        %mul3A_105 = arith.constant 16 : i32
        %mul3A_106 = arith.muli %add3A_104, %mul3A_105 : i32
        %get3A = arith.index_cast %mul3A_106 : i32 to index
        %get3A_107 = tpu.vector_load %arg12[%get3A] {strides = array<i32>} : memref<4096xf32, #tpu.memory_space<vmem>>, vector<16xf32>,
        %get3A_108 = vector.shape_cast %get3A_107 : vector<16xf32> to vector<16xf32>
        %gt3A = arith.cmpf ogt, %get3A_108, %broadcast_in_dim3A_24 : vector<16xf32>
        %select_n3A = arith.select %gt3A, %broadcast_in_dim3A_20, %broadcast_in_dim3A_22 : vector<16xi1>, vector<16xi32>
        %swap3A = arith.index_cast %mul3A_106 : i32 to index
        %swap3A_109 = tpu.vector_load %arg16[%swap3A] {strides = array<i32>} : memref<4096xi32, #tpu.memory_space<vmem>>, vector<16xi32>,
        %swap3A_110 = vector.shape_cast %swap3A_109 : vector<16xi32> to vector<16xi32>
        %swap3A_111 = vector.shape_cast %select_n3A : vector<16xi32> to vector<16xi32>
        tpu.vector_store %arg16[%swap3A], %swap3A_111 {strides = array<i32>} : memref<4096xi32, #tpu.memory_space<vmem>>, vector<16xi32>,
        %scan3A_112 = arith.constant 1 : i32
        %scan3A_113 = arith.addi %scan3A_100, %scan3A_112 : i32
        %mul3A_114 = arith.constant 1 : i32
        %mul3A_115 = arith.muli %scan3A_113, %mul3A_114 : i32
        %add3A_116 = arith.constant 0 : i32
        %add3A_117 = arith.addi %add3A_116, %mul3A_115 : i32
        %mul3A_118 = arith.constant 16 : i32
        %mul3A_119 = arith.muli %add3A_117, %mul3A_118 : i32
        %get3A_120 = arith.index_cast %mul3A_119 : i32 to index
        %get3A_121 = tpu.vector_load %arg12[%get3A_120] {strides = array<i32>} : memref<4096xf32, #tpu.memory_space<vmem>>, vector<16xf32>,
        %get3A_122 = vector.shape_cast %get3A_121 : vector<16xf32> to vector<16xf32>
        %gt3A_123 = arith.cmpf ogt, %get3A_122, %broadcast_in_dim3A_24 : vector<16xf32>
        %select_n3A_124 = arith.select %gt3A_123, %broadcast_in_dim3A_20, %broadcast_in_dim3A_22 : vector<16xi1>, vector<16xi32>
        %swap3A_125 = arith.index_cast %mul3A_119 : i32 to index
        %swap3A_126 = tpu.vector_load %arg16[%swap3A_125] {strides = array<i32>} : memref<4096xi32, #tpu.memory_space<vmem>>, vector<16xi32>,
        %swap3A_127 = vector.shape_cast %swap3A_126 : vector<16xi32> to vector<16xi32>
        %swap3A_128 = vector.shape_cast %select_n3A_124 : vector<16xi32> to vector<16xi32>
        tpu.vector_store %arg16[%swap3A_125], %swap3A_128 {strides = array<i32>} : memref<4096xi32, #tpu.memory_space<vmem>>, vector<16xi32>,
        %scan3A_129 = arith.constant 2 : i32
        %scan3A_130 = arith.addi %scan3A_100, %scan3A_129 : i32
        %mul3A_131 = arith.constant 1 : i32
        %mul3A_132 = arith.muli %scan3A_130, %mul3A_131 : i32
        %add3A_133 = arith.constant 0 : i32
        %add3A_134 = arith.addi %add3A_133, %mul3A_132 : i32
        %mul3A_135 = arith.constant 16 : i32
        %mul3A_136 = arith.muli %add3A_134, %mul3A_135 : i32
        %get3A_137 = arith.index_cast %mul3A_136 : i32 to index
        %get3A_138 = tpu.vector_load %arg12[%get3A_137] {strides = array<i32>} : memref<4096xf32, #tpu.memory_space<vmem>>, vector<16xf32>,
        %get3A_139 = vector.shape_cast %get3A_138 : vector<16xf32> to vector<16xf32>
        %gt3A_140 = arith.cmpf ogt, %get3A_139, %broadcast_in_dim3A_24 : vector<16xf32>
        %select_n3A_141 = arith.select %gt3A_140, %broadcast_in_dim3A_20, %broadcast_in_dim3A_22 : vector<16xi1>, vector<16xi32>
        %swap3A_142 = arith.index_cast %mul3A_136 : i32 to index
        %swap3A_143 = tpu.vector_load %arg16[%swap3A_142] {strides = array<i32>} : memref<4096xi32, #tpu.memory_space<vmem>>, vector<16xi32>,
        %swap3A_144 = vector.shape_cast %swap3A_143 : vector<16xi32> to vector<16xi32>
        %swap3A_145 = vector.shape_cast %select_n3A_141 : vector<16xi32> to vector<16xi32>
        tpu.vector_store %arg16[%swap3A_142], %swap3A_145 {strides = array<i32>} : memref<4096xi32, #tpu.memory_space<vmem>>, vector<16xi32>,
        %scan3A_146 = arith.constant 3 : i32
        %scan3A_147 = arith.addi %scan3A_100, %scan3A_146 : i32
        %mul3A_148 = arith.constant 1 : i32
        %mul3A_149 = arith.muli %scan3A_147, %mul3A_148 : i32
        %add3A_150 = arith.constant 0 : i32
        %add3A_151 = arith.addi %add3A_150, %mul3A_149 : i32
        %mul3A_152 = arith.constant 16 : i32
        %mul3A_153 = arith.muli %add3A_151, %mul3A_152 : i32
        %get3A_154 = arith.index_cast %mul3A_153 : i32 to index
        %get3A_155 = tpu.vector_load %arg12[%get3A_154] {strides = array<i32>} : memref<4096xf32, #tpu.memory_space<vmem>>, vector<16xf32>,
        %get3A_156 = vector.shape_cast %get3A_155 : vector<16xf32> to vector<16xf32>
        %gt3A_157 = arith.cmpf ogt, %get3A_156, %broadcast_in_dim3A_24 : vector<16xf32>
        %select_n3A_158 = arith.select %gt3A_157, %broadcast_in_dim3A_20, %broadcast_in_dim3A_22 : vector<16xi1>, vector<16xi32>
        %swap3A_159 = arith.index_cast %mul3A_153 : i32 to index
        %swap3A_160 = tpu.vector_load %arg16[%swap3A_159] {strides = array<i32>} : memref<4096xi32, #tpu.memory_space<vmem>>, vector<16xi32>,
        %swap3A_161 = vector.shape_cast %swap3A_160 : vector<16xi32> to vector<16xi32>
        %swap3A_162 = vector.shape_cast %select_n3A_158 : vector<16xi32> to vector<16xi32>
        tpu.vector_store %arg16[%swap3A_159], %swap3A_162 {strides = array<i32>} : memref<4096xi32, #tpu.memory_space<vmem>>, vector<16xi32>,
        %scan3A_163 = arith.constant 4 : i32
        %scan3A_164 = arith.addi %scan3A_100, %scan3A_163 : i32
        %mul3A_165 = arith.constant 1 : i32
        %mul3A_166 = arith.muli %scan3A_164, %mul3A_165 : i32
        %add3A_167 = arith.constant 0 : i32
        %add3A_168 = arith.addi %add3A_167, %mul3A_166 : i32
        %mul3A_169 = arith.constant 16 : i32
        %mul3A_170 = arith.muli %add3A_168, %mul3A_169 : i32
        %get3A_171 = arith.index_cast %mul3A_170 : i32 to index
        %get3A_172 = tpu.vector_load %arg12[%get3A_171] {strides = array<i32>} : memref<4096xf32, #tpu.memory_space<vmem>>, vector<16xf32>,
        %get3A_173 = vector.shape_cast %get3A_172 : vector<16xf32> to vector<16xf32>
        %gt3A_174 = arith.cmpf ogt, %get3A_173, %broadcast_in_dim3A_24 : vector<16xf32>
        %select_n3A_175 = arith.select %gt3A_174, %broadcast_in_dim3A_20, %broadcast_in_dim3A_22 : vector<16xi1>, vector<16xi32>
        %swap3A_176 = arith.index_cast %mul3A_170 : i32 to index
        %swap3A_177 = tpu.vector_load %arg16[%swap3A_176] {strides = array<i32>} : memref<4096xi32, #tpu.memory_space<vmem>>, vector<16xi32>,
        %swap3A_178 = vector.shape_cast %swap3A_177 : vector<16xi32> to vector<16xi32>
        %swap3A_179 = vector.shape_cast %select_n3A_175 : vector<16xi32> to vector<16xi32>
        tpu.vector_store %arg16[%swap3A_176], %swap3A_179 {strides = array<i32>} : memref<4096xi32, #tpu.memory_space<vmem>>, vector<16xi32>,
        %scan3A_180 = arith.constant 5 : i32
        %scan3A_181 = arith.addi %scan3A_100, %scan3A_180 : i32
        %mul3A_182 = arith.constant 1 : i32
        %mul3A_183 = arith.muli %scan3A_181, %mul3A_182 : i32
        %add3A_184 = arith.constant 0 : i32
        %add3A_185 = arith.addi %add3A_184, %mul3A_183 : i32
        %mul3A_186 = arith.constant 16 : i32
        %mul3A_187 = arith.muli %add3A_185, %mul3A_186 : i32
        %get3A_188 = arith.index_cast %mul3A_187 : i32 to index
        %get3A_189 = tpu.vector_load %arg12[%get3A_188] {strides = array<i32>} : memref<4096xf32, #tpu.memory_space<vmem>>, vector<16xf32>,
        %get3A_190 = vector.shape_cast %get3A_189 : vector<16xf32> to vector<16xf32>
        %gt3A_191 = arith.cmpf ogt, %get3A_190, %broadcast_in_dim3A_24 : vector<16xf32>
        %select_n3A_192 = arith.select %gt3A_191, %broadcast_in_dim3A_20, %broadcast_in_dim3A_22 : vector<16xi1>, vector<16xi32>
        %swap3A_193 = arith.index_cast %mul3A_187 : i32 to index
        %swap3A_194 = tpu.vector_load %arg16[%swap3A_193] {strides = array<i32>} : memref<4096xi32, #tpu.memory_space<vmem>>, vector<16xi32>,
        %swap3A_195 = vector.shape_cast %swap3A_194 : vector<16xi32> to vector<16xi32>
        %swap3A_196 = vector.shape_cast %select_n3A_192 : vector<16xi32> to vector<16xi32>
        tpu.vector_store %arg16[%swap3A_193], %swap3A_196 {strides = array<i32>} : memref<4096xi32, #tpu.memory_space<vmem>>, vector<16xi32>,
        %scan3A_197 = arith.constant 6 : i32
        %scan3A_198 = arith.addi %scan3A_100, %scan3A_197 : i32
        %mul3A_199 = arith.constant 1 : i32
        %mul3A_200 = arith.muli %scan3A_198, %mul3A_199 : i32
        %add3A_201 = arith.constant 0 : i32
        %add3A_202 = arith.addi %add3A_201, %mul3A_200 : i32
        %mul3A_203 = arith.constant 16 : i32
        %mul3A_204 = arith.muli %add3A_202, %mul3A_203 : i32
        %get3A_205 = arith.index_cast %mul3A_204 : i32 to index
        %get3A_206 = tpu.vector_load %arg12[%get3A_205] {strides = array<i32>} : memref<4096xf32, #tpu.memory_space<vmem>>, vector<16xf32>,
        %get3A_207 = vector.shape_cast %get3A_206 : vector<16xf32> to vector<16xf32>
        %gt3A_208 = arith.cmpf ogt, %get3A_207, %broadcast_in_dim3A_24 : vector<16xf32>
        %select_n3A_209 = arith.select %gt3A_208, %broadcast_in_dim3A_20, %broadcast_in_dim3A_22 : vector<16xi1>, vector<16xi32>
        %swap3A_210 = arith.index_cast %mul3A_204 : i32 to index
        %swap3A_211 = tpu.vector_load %arg16[%swap3A_210] {strides = array<i32>} : memref<4096xi32, #tpu.memory_space<vmem>>, vector<16xi32>,
        %swap3A_212 = vector.shape_cast %swap3A_211 : vector<16xi32> to vector<16xi32>
        %swap3A_213 = vector.shape_cast %select_n3A_209 : vector<16xi32> to vector<16xi32>
        tpu.vector_store %arg16[%swap3A_210], %swap3A_213 {strides = array<i32>} : memref<4096xi32, #tpu.memory_space<vmem>>, vector<16xi32>,
        %scan3A_214 = arith.constant 7 : i32
        %scan3A_215 = arith.addi %scan3A_100, %scan3A_214 : i32
        %mul3A_216 = arith.constant 1 : i32
        %mul3A_217 = arith.muli %scan3A_215, %mul3A_216 : i32
        %add3A_218 = arith.constant 0 : i32
        %add3A_219 = arith.addi %add3A_218, %mul3A_217 : i32
        %mul3A_220 = arith.constant 16 : i32
        %mul3A_221 = arith.muli %add3A_219, %mul3A_220 : i32
        %get3A_222 = arith.index_cast %mul3A_221 : i32 to index
        %get3A_223 = tpu.vector_load %arg12[%get3A_222] {strides = array<i32>} : memref<4096xf32, #tpu.memory_space<vmem>>, vector<16xf32>,
        %get3A_224 = vector.shape_cast %get3A_223 : vector<16xf32> to vector<16xf32>
        %gt3A_225 = arith.cmpf ogt, %get3A_224, %broadcast_in_dim3A_24 : vector<16xf32>
        %select_n3A_226 = arith.select %gt3A_225, %broadcast_in_dim3A_20, %broadcast_in_dim3A_22 : vector<16xi1>, vector<16xi32>
        %swap3A_227 = arith.index_cast %mul3A_221 : i32 to index
        %swap3A_228 = tpu.vector_load %arg16[%swap3A_227] {strides = array<i32>} : memref<4096xi32, #tpu.memory_space<vmem>>, vector<16xi32>,
        %swap3A_229 = vector.shape_cast %swap3A_228 : vector<16xi32> to vector<16xi32>
        %swap3A_230 = vector.shape_cast %select_n3A_226 : vector<16xi32> to vector<16xi32>
        tpu.vector_store %arg16[%swap3A_227], %swap3A_230 {strides = array<i32>} : memref<4096xi32, #tpu.memory_space<vmem>>, vector<16xi32>,
      }
      %scan3A_52 = arith.constant 256 : i32
      %dma_wait3A_53 = tpu.memref_slice %arg7[%mul3A_16] : memref<131072xi32, #tpu.memory_space<vmem_shared>> -> memref<8192xi32, #tpu.memory_space<vmem_shared>>
      tpu.wait_dma2 semaphore(%arg23 : memref<!tpu.dma_semaphore, #tpu.memory_space<semaphore_mem>>) src(%arg4 : memref<8192xi32, #tpu.memory_space<hbm>>) dst(%dma_wait3A_53 : memref<8192xi32, #tpu.memory_space<vmem_shared>>)
      %barrier3A = arith.constant 0 : index
      tpu.barrier barrier_id(%barrier3A)
      %dma_wait3A_54 = tpu.memref_slice %arg2[%add3A_1] : memref<262144xi32, #tpu.memory_space<hbm>> -> memref<4096xi32, #tpu.memory_space<hbm>>
      %dma_wait3A_55 = tpu.memref_slice %arg2[%add3A_1] : memref<262144xi32, #tpu.memory_space<hbm>> -> memref<4096xi32, #tpu.memory_space<hbm>>
      tpu.wait_dma2 semaphore(%arg21 : memref<!tpu.dma_semaphore, #tpu.memory_space<semaphore_mem>>) src(%dma_wait3A_55 : memref<4096xi32, #tpu.memory_space<hbm>>) dst(%arg8 : memref<4096xi32, #tpu.memory_space<vmem>>)
      %dma_wait3A_56 = tpu.memref_slice %arg2[%add3A_4] : memref<262144xi32, #tpu.memory_space<hbm>> -> memref<4096xi32, #tpu.memory_space<hbm>>
      %dma_wait3A_57 = tpu.memref_slice %arg2[%add3A_4] : memref<262144xi32, #tpu.memory_space<hbm>> -> memref<4096xi32, #tpu.memory_space<hbm>>
      tpu.wait_dma2 semaphore(%arg21 : memref<!tpu.dma_semaphore, #tpu.memory_space<semaphore_mem>>) src(%dma_wait3A_57 : memref<4096xi32, #tpu.memory_space<hbm>>) dst(%arg9 : memref<4096xi32, #tpu.memory_space<vmem>>)
      %dma_wait3A_58 = tpu.memref_slice %arg2[%add3A_8] : memref<262144xi32, #tpu.memory_space<hbm>> -> memref<4096xi32, #tpu.memory_space<hbm>>
      %dma_wait3A_59 = tpu.memref_slice %arg2[%add3A_8] : memref<262144xi32, #tpu.memory_space<hbm>> -> memref<4096xi32, #tpu.memory_space<hbm>>
      tpu.wait_dma2 semaphore(%arg21 : memref<!tpu.dma_semaphore, #tpu.memory_space<semaphore_mem>>) src(%dma_wait3A_59 : memref<4096xi32, #tpu.memory_space<hbm>>) dst(%arg10 : memref<4096xi32, #tpu.memory_space<vmem>>)
      %dma_wait3A_60 = tpu.memref_slice %arg2[%add3A_12] : memref<262144xi32, #tpu.memory_space<hbm>> -> memref<4096xi32, #tpu.memory_space<hbm>>
      %dma_wait3A_61 = tpu.memref_slice %arg2[%add3A_12] : memref<262144xi32, #tpu.memory_space<hbm>> -> memref<4096xi32, #tpu.memory_space<hbm>>
      tpu.wait_dma2 semaphore(%arg21 : memref<!tpu.dma_semaphore, #tpu.memory_space<semaphore_mem>>) src(%dma_wait3A_61 : memref<4096xi32, #tpu.memory_space<hbm>>) dst(%arg11 : memref<4096xi32, #tpu.memory_space<vmem>>)
      %dma_start3A_62 = arith.constant 0 : i32
      %dma_start3A_63 = tpu.memref_slice %arg7[%dma_start3A_62] : memref<131072xi32, #tpu.memory_space<vmem_shared>> -> memref<131072xi32, #tpu.memory_space<vmem_shared>>
      tpu.enqueue_indirect_dma source(%arg16 : memref<4096xi32, #tpu.memory_space<vmem>>) target(%dma_start3A_63 : memref<131072xi32, #tpu.memory_space<vmem_shared>>) offsets(%arg8 : memref<4096xi32, #tpu.memory_space<vmem>>) semaphore(%arg24 : memref<!tpu.dma_semaphore, #tpu.memory_space<semaphore_mem>>) {add = true}
      %dma_wait3A_64 = tpu.memref_slice %arg3[%add3A_37] : memref<262144xf32, #tpu.memory_space<hbm>> -> memref<4096xf32, #tpu.memory_space<hbm>>
      %dma_wait3A_65 = tpu.memref_slice %arg3[%add3A_37] : memref<262144xf32, #tpu.memory_space<hbm>> -> memref<4096xf32, #tpu.memory_space<hbm>>
      tpu.wait_dma2 semaphore(%arg22 : memref<!tpu.dma_semaphore, #tpu.memory_space<semaphore_mem>>) src(%dma_wait3A_65 : memref<4096xf32, #tpu.memory_space<hbm>>) dst(%arg13 : memref<4096xf32, #tpu.memory_space<vmem>>)
      %scan3A_66 = arith.constant 0 : i32
      %scan3A_67 = arith.constant 256 : i32
      %scan3A_68 = arith.addi %scan3A_66, %scan3A_67 : i32
      %scan3A_69 = arith.constant 8 : i32
      scf.for %scan3A_100 = %scan3A_66 to %scan3A_68 step %scan3A_69  : i32 {
        %mul3A_101 = arith.constant 1 : i32
        %mul3A_102 = arith.muli %scan3A_100, %mul3A_101 : i32
        %add3A_103 = arith.constant 0 : i32
        %add3A_104 = arith.addi %add3A_103, %mul3A_102 : i32
        %mul3A_105 = arith.constant 16 : i32
        %mul3A_106 = arith.muli %add3A_104, %mul3A_105 : i32
        %get3A = arith.index_cast %mul3A_106 : i32 to index
        %get3A_107 = tpu.vector_load %arg13[%get3A] {strides = array<i32>} : memref<4096xf32, #tpu.memory_space<vmem>>, vector<16xf32>,
        %get3A_108 = vector.shape_cast %get3A_107 : vector<16xf32> to vector<16xf32>
        %gt3A = arith.cmpf ogt, %get3A_108, %broadcast_in_dim3A_24 : vector<16xf32>
        %select_n3A = arith.select %gt3A, %broadcast_in_dim3A_20, %broadcast_in_dim3A_22 : vector<16xi1>, vector<16xi32>
        %swap3A = arith.index_cast %mul3A_106 : i32 to index
        %swap3A_109 = tpu.vector_load %arg17[%swap3A] {strides = array<i32>} : memref<4096xi32, #tpu.memory_space<vmem>>, vector<16xi32>,
        %swap3A_110 = vector.shape_cast %swap3A_109 : vector<16xi32> to vector<16xi32>
        %swap3A_111 = vector.shape_cast %select_n3A : vector<16xi32> to vector<16xi32>
        tpu.vector_store %arg17[%swap3A], %swap3A_111 {strides = array<i32>} : memref<4096xi32, #tpu.memory_space<vmem>>, vector<16xi32>,
        %scan3A_112 = arith.constant 1 : i32
        %scan3A_113 = arith.addi %scan3A_100, %scan3A_112 : i32
        %mul3A_114 = arith.constant 1 : i32
        %mul3A_115 = arith.muli %scan3A_113, %mul3A_114 : i32
        %add3A_116 = arith.constant 0 : i32
        %add3A_117 = arith.addi %add3A_116, %mul3A_115 : i32
        %mul3A_118 = arith.constant 16 : i32
        %mul3A_119 = arith.muli %add3A_117, %mul3A_118 : i32
        %get3A_120 = arith.index_cast %mul3A_119 : i32 to index
        %get3A_121 = tpu.vector_load %arg13[%get3A_120] {strides = array<i32>} : memref<4096xf32, #tpu.memory_space<vmem>>, vector<16xf32>,
        %get3A_122 = vector.shape_cast %get3A_121 : vector<16xf32> to vector<16xf32>
        %gt3A_123 = arith.cmpf ogt, %get3A_122, %broadcast_in_dim3A_24 : vector<16xf32>
        %select_n3A_124 = arith.select %gt3A_123, %broadcast_in_dim3A_20, %broadcast_in_dim3A_22 : vector<16xi1>, vector<16xi32>
        %swap3A_125 = arith.index_cast %mul3A_119 : i32 to index
        %swap3A_126 = tpu.vector_load %arg17[%swap3A_125] {strides = array<i32>} : memref<4096xi32, #tpu.memory_space<vmem>>, vector<16xi32>,
        %swap3A_127 = vector.shape_cast %swap3A_126 : vector<16xi32> to vector<16xi32>
        %swap3A_128 = vector.shape_cast %select_n3A_124 : vector<16xi32> to vector<16xi32>
        tpu.vector_store %arg17[%swap3A_125], %swap3A_128 {strides = array<i32>} : memref<4096xi32, #tpu.memory_space<vmem>>, vector<16xi32>,
        %scan3A_129 = arith.constant 2 : i32
        %scan3A_130 = arith.addi %scan3A_100, %scan3A_129 : i32
        %mul3A_131 = arith.constant 1 : i32
        %mul3A_132 = arith.muli %scan3A_130, %mul3A_131 : i32
        %add3A_133 = arith.constant 0 : i32
        %add3A_134 = arith.addi %add3A_133, %mul3A_132 : i32
        %mul3A_135 = arith.constant 16 : i32
        %mul3A_136 = arith.muli %add3A_134, %mul3A_135 : i32
        %get3A_137 = arith.index_cast %mul3A_136 : i32 to index
        %get3A_138 = tpu.vector_load %arg13[%get3A_137] {strides = array<i32>} : memref<4096xf32, #tpu.memory_space<vmem>>, vector<16xf32>,
        %get3A_139 = vector.shape_cast %get3A_138 : vector<16xf32> to vector<16xf32>
        %gt3A_140 = arith.cmpf ogt, %get3A_139, %broadcast_in_dim3A_24 : vector<16xf32>
        %select_n3A_141 = arith.select %gt3A_140, %broadcast_in_dim3A_20, %broadcast_in_dim3A_22 : vector<16xi1>, vector<16xi32>
        %swap3A_142 = arith.index_cast %mul3A_136 : i32 to index
        %swap3A_143 = tpu.vector_load %arg17[%swap3A_142] {strides = array<i32>} : memref<4096xi32, #tpu.memory_space<vmem>>, vector<16xi32>,
        %swap3A_144 = vector.shape_cast %swap3A_143 : vector<16xi32> to vector<16xi32>
        %swap3A_145 = vector.shape_cast %select_n3A_141 : vector<16xi32> to vector<16xi32>
        tpu.vector_store %arg17[%swap3A_142], %swap3A_145 {strides = array<i32>} : memref<4096xi32, #tpu.memory_space<vmem>>, vector<16xi32>,
        %scan3A_146 = arith.constant 3 : i32
        %scan3A_147 = arith.addi %scan3A_100, %scan3A_146 : i32
        %mul3A_148 = arith.constant 1 : i32
        %mul3A_149 = arith.muli %scan3A_147, %mul3A_148 : i32
        %add3A_150 = arith.constant 0 : i32
        %add3A_151 = arith.addi %add3A_150, %mul3A_149 : i32
        %mul3A_152 = arith.constant 16 : i32
        %mul3A_153 = arith.muli %add3A_151, %mul3A_152 : i32
        %get3A_154 = arith.index_cast %mul3A_153 : i32 to index
        %get3A_155 = tpu.vector_load %arg13[%get3A_154] {strides = array<i32>} : memref<4096xf32, #tpu.memory_space<vmem>>, vector<16xf32>,
        %get3A_156 = vector.shape_cast %get3A_155 : vector<16xf32> to vector<16xf32>
        %gt3A_157 = arith.cmpf ogt, %get3A_156, %broadcast_in_dim3A_24 : vector<16xf32>
        %select_n3A_158 = arith.select %gt3A_157, %broadcast_in_dim3A_20, %broadcast_in_dim3A_22 : vector<16xi1>, vector<16xi32>
        %swap3A_159 = arith.index_cast %mul3A_153 : i32 to index
        %swap3A_160 = tpu.vector_load %arg17[%swap3A_159] {strides = array<i32>} : memref<4096xi32, #tpu.memory_space<vmem>>, vector<16xi32>,
        %swap3A_161 = vector.shape_cast %swap3A_160 : vector<16xi32> to vector<16xi32>
        %swap3A_162 = vector.shape_cast %select_n3A_158 : vector<16xi32> to vector<16xi32>
        tpu.vector_store %arg17[%swap3A_159], %swap3A_162 {strides = array<i32>} : memref<4096xi32, #tpu.memory_space<vmem>>, vector<16xi32>,
        %scan3A_163 = arith.constant 4 : i32
        %scan3A_164 = arith.addi %scan3A_100, %scan3A_163 : i32
        %mul3A_165 = arith.constant 1 : i32
        %mul3A_166 = arith.muli %scan3A_164, %mul3A_165 : i32
        %add3A_167 = arith.constant 0 : i32
        %add3A_168 = arith.addi %add3A_167, %mul3A_166 : i32
        %mul3A_169 = arith.constant 16 : i32
        %mul3A_170 = arith.muli %add3A_168, %mul3A_169 : i32
        %get3A_171 = arith.index_cast %mul3A_170 : i32 to index
        %get3A_172 = tpu.vector_load %arg13[%get3A_171] {strides = array<i32>} : memref<4096xf32, #tpu.memory_space<vmem>>, vector<16xf32>,
        %get3A_173 = vector.shape_cast %get3A_172 : vector<16xf32> to vector<16xf32>
        %gt3A_174 = arith.cmpf ogt, %get3A_173, %broadcast_in_dim3A_24 : vector<16xf32>
        %select_n3A_175 = arith.select %gt3A_174, %broadcast_in_dim3A_20, %broadcast_in_dim3A_22 : vector<16xi1>, vector<16xi32>
        %swap3A_176 = arith.index_cast %mul3A_170 : i32 to index
        %swap3A_177 = tpu.vector_load %arg17[%swap3A_176] {strides = array<i32>} : memref<4096xi32, #tpu.memory_space<vmem>>, vector<16xi32>,
        %swap3A_178 = vector.shape_cast %swap3A_177 : vector<16xi32> to vector<16xi32>
        %swap3A_179 = vector.shape_cast %select_n3A_175 : vector<16xi32> to vector<16xi32>
        tpu.vector_store %arg17[%swap3A_176], %swap3A_179 {strides = array<i32>} : memref<4096xi32, #tpu.memory_space<vmem>>, vector<16xi32>,
        %scan3A_180 = arith.constant 5 : i32
        %scan3A_181 = arith.addi %scan3A_100, %scan3A_180 : i32
        %mul3A_182 = arith.constant 1 : i32
        %mul3A_183 = arith.muli %scan3A_181, %mul3A_182 : i32
        %add3A_184 = arith.constant 0 : i32
        %add3A_185 = arith.addi %add3A_184, %mul3A_183 : i32
        %mul3A_186 = arith.constant 16 : i32
        %mul3A_187 = arith.muli %add3A_185, %mul3A_186 : i32
        %get3A_188 = arith.index_cast %mul3A_187 : i32 to index
        %get3A_189 = tpu.vector_load %arg13[%get3A_188] {strides = array<i32>} : memref<4096xf32, #tpu.memory_space<vmem>>, vector<16xf32>,
        %get3A_190 = vector.shape_cast %get3A_189 : vector<16xf32> to vector<16xf32>
        %gt3A_191 = arith.cmpf ogt, %get3A_190, %broadcast_in_dim3A_24 : vector<16xf32>
        %select_n3A_192 = arith.select %gt3A_191, %broadcast_in_dim3A_20, %broadcast_in_dim3A_22 : vector<16xi1>, vector<16xi32>
        %swap3A_193 = arith.index_cast %mul3A_187 : i32 to index
        %swap3A_194 = tpu.vector_load %arg17[%swap3A_193] {strides = array<i32>} : memref<4096xi32, #tpu.memory_space<vmem>>, vector<16xi32>,
        %swap3A_195 = vector.shape_cast %swap3A_194 : vector<16xi32> to vector<16xi32>
        %swap3A_196 = vector.shape_cast %select_n3A_192 : vector<16xi32> to vector<16xi32>
        tpu.vector_store %arg17[%swap3A_193], %swap3A_196 {strides = array<i32>} : memref<4096xi32, #tpu.memory_space<vmem>>, vector<16xi32>,
        %scan3A_197 = arith.constant 6 : i32
        %scan3A_198 = arith.addi %scan3A_100, %scan3A_197 : i32
        %mul3A_199 = arith.constant 1 : i32
        %mul3A_200 = arith.muli %scan3A_198, %mul3A_199 : i32
        %add3A_201 = arith.constant 0 : i32
        %add3A_202 = arith.addi %add3A_201, %mul3A_200 : i32
        %mul3A_203 = arith.constant 16 : i32
        %mul3A_204 = arith.muli %add3A_202, %mul3A_203 : i32
        %get3A_205 = arith.index_cast %mul3A_204 : i32 to index
        %get3A_206 = tpu.vector_load %arg13[%get3A_205] {strides = array<i32>} : memref<4096xf32, #tpu.memory_space<vmem>>, vector<16xf32>,
        %get3A_207 = vector.shape_cast %get3A_206 : vector<16xf32> to vector<16xf32>
        %gt3A_208 = arith.cmpf ogt, %get3A_207, %broadcast_in_dim3A_24 : vector<16xf32>
        %select_n3A_209 = arith.select %gt3A_208, %broadcast_in_dim3A_20, %broadcast_in_dim3A_22 : vector<16xi1>, vector<16xi32>
        %swap3A_210 = arith.index_cast %mul3A_204 : i32 to index
        %swap3A_211 = tpu.vector_load %arg17[%swap3A_210] {strides = array<i32>} : memref<4096xi32, #tpu.memory_space<vmem>>, vector<16xi32>,
        %swap3A_212 = vector.shape_cast %swap3A_211 : vector<16xi32> to vector<16xi32>
        %swap3A_213 = vector.shape_cast %select_n3A_209 : vector<16xi32> to vector<16xi32>
        tpu.vector_store %arg17[%swap3A_210], %swap3A_213 {strides = array<i32>} : memref<4096xi32, #tpu.memory_space<vmem>>, vector<16xi32>,
        %scan3A_214 = arith.constant 7 : i32
        %scan3A_215 = arith.addi %scan3A_100, %scan3A_214 : i32
        %mul3A_216 = arith.constant 1 : i32
        %mul3A_217 = arith.muli %scan3A_215, %mul3A_216 : i32
        %add3A_218 = arith.constant 0 : i32
        %add3A_219 = arith.addi %add3A_218, %mul3A_217 : i32
        %mul3A_220 = arith.constant 16 : i32
        %mul3A_221 = arith.muli %add3A_219, %mul3A_220 : i32
        %get3A_222 = arith.index_cast %mul3A_221 : i32 to index
        %get3A_223 = tpu.vector_load %arg13[%get3A_222] {strides = array<i32>} : memref<4096xf32, #tpu.memory_space<vmem>>, vector<16xf32>,
        %get3A_224 = vector.shape_cast %get3A_223 : vector<16xf32> to vector<16xf32>
        %gt3A_225 = arith.cmpf ogt, %get3A_224, %broadcast_in_dim3A_24 : vector<16xf32>
        %select_n3A_226 = arith.select %gt3A_225, %broadcast_in_dim3A_20, %broadcast_in_dim3A_22 : vector<16xi1>, vector<16xi32>
        %swap3A_227 = arith.index_cast %mul3A_221 : i32 to index
        %swap3A_228 = tpu.vector_load %arg17[%swap3A_227] {strides = array<i32>} : memref<4096xi32, #tpu.memory_space<vmem>>, vector<16xi32>,
        %swap3A_229 = vector.shape_cast %swap3A_228 : vector<16xi32> to vector<16xi32>
        %swap3A_230 = vector.shape_cast %select_n3A_226 : vector<16xi32> to vector<16xi32>
        tpu.vector_store %arg17[%swap3A_227], %swap3A_230 {strides = array<i32>} : memref<4096xi32, #tpu.memory_space<vmem>>, vector<16xi32>,
      }
      %scan3A_70 = arith.constant 256 : i32
      %dma_start3A_71 = arith.constant 0 : i32
      %dma_start3A_72 = tpu.memref_slice %arg7[%dma_start3A_71] : memref<131072xi32, #tpu.memory_space<vmem_shared>> -> memref<131072xi32, #tpu.memory_space<vmem_shared>>
      tpu.enqueue_indirect_dma source(%arg17 : memref<4096xi32, #tpu.memory_space<vmem>>) target(%dma_start3A_72 : memref<131072xi32, #tpu.memory_space<vmem_shared>>) offsets(%arg9 : memref<4096xi32, #tpu.memory_space<vmem>>) semaphore(%arg24 : memref<!tpu.dma_semaphore, #tpu.memory_space<semaphore_mem>>) {add = true}
      %dma_wait3A_73 = tpu.memref_slice %arg3[%add3A_41] : memref<262144xf32, #tpu.memory_space<hbm>> -> memref<4096xf32, #tpu.memory_space<hbm>>
      %dma_wait3A_74 = tpu.memref_slice %arg3[%add3A_41] : memref<262144xf32, #tpu.memory_space<hbm>> -> memref<4096xf32, #tpu.memory_space<hbm>>
      tpu.wait_dma2 semaphore(%arg22 : memref<!tpu.dma_semaphore, #tpu.memory_space<semaphore_mem>>) src(%dma_wait3A_74 : memref<4096xf32, #tpu.memory_space<hbm>>) dst(%arg14 : memref<4096xf32, #tpu.memory_space<vmem>>)
      %scan3A_75 = arith.constant 0 : i32
      %scan3A_76 = arith.constant 256 : i32
      %scan3A_77 = arith.addi %scan3A_75, %scan3A_76 : i32
      %scan3A_78 = arith.constant 8 : i32
      scf.for %scan3A_100 = %scan3A_75 to %scan3A_77 step %scan3A_78  : i32 {
        %mul3A_101 = arith.constant 1 : i32
        %mul3A_102 = arith.muli %scan3A_100, %mul3A_101 : i32
        %add3A_103 = arith.constant 0 : i32
        %add3A_104 = arith.addi %add3A_103, %mul3A_102 : i32
        %mul3A_105 = arith.constant 16 : i32
        %mul3A_106 = arith.muli %add3A_104, %mul3A_105 : i32
        %get3A = arith.index_cast %mul3A_106 : i32 to index
        %get3A_107 = tpu.vector_load %arg14[%get3A] {strides = array<i32>} : memref<4096xf32, #tpu.memory_space<vmem>>, vector<16xf32>,
        %get3A_108 = vector.shape_cast %get3A_107 : vector<16xf32> to vector<16xf32>
        %gt3A = arith.cmpf ogt, %get3A_108, %broadcast_in_dim3A_24 : vector<16xf32>
        %select_n3A = arith.select %gt3A, %broadcast_in_dim3A_20, %broadcast_in_dim3A_22 : vector<16xi1>, vector<16xi32>
        %swap3A = arith.index_cast %mul3A_106 : i32 to index
        %swap3A_109 = tpu.vector_load %arg18[%swap3A] {strides = array<i32>} : memref<4096xi32, #tpu.memory_space<vmem>>, vector<16xi32>,
        %swap3A_110 = vector.shape_cast %swap3A_109 : vector<16xi32> to vector<16xi32>
        %swap3A_111 = vector.shape_cast %select_n3A : vector<16xi32> to vector<16xi32>
        tpu.vector_store %arg18[%swap3A], %swap3A_111 {strides = array<i32>} : memref<4096xi32, #tpu.memory_space<vmem>>, vector<16xi32>,
        %scan3A_112 = arith.constant 1 : i32
        %scan3A_113 = arith.addi %scan3A_100, %scan3A_112 : i32
        %mul3A_114 = arith.constant 1 : i32
        %mul3A_115 = arith.muli %scan3A_113, %mul3A_114 : i32
        %add3A_116 = arith.constant 0 : i32
        %add3A_117 = arith.addi %add3A_116, %mul3A_115 : i32
        %mul3A_118 = arith.constant 16 : i32
        %mul3A_119 = arith.muli %add3A_117, %mul3A_118 : i32
        %get3A_120 = arith.index_cast %mul3A_119 : i32 to index
        %get3A_121 = tpu.vector_load %arg14[%get3A_120] {strides = array<i32>} : memref<4096xf32, #tpu.memory_space<vmem>>, vector<16xf32>,
        %get3A_122 = vector.shape_cast %get3A_121 : vector<16xf32> to vector<16xf32>
        %gt3A_123 = arith.cmpf ogt, %get3A_122, %broadcast_in_dim3A_24 : vector<16xf32>
        %select_n3A_124 = arith.select %gt3A_123, %broadcast_in_dim3A_20, %broadcast_in_dim3A_22 : vector<16xi1>, vector<16xi32>
        %swap3A_125 = arith.index_cast %mul3A_119 : i32 to index
        %swap3A_126 = tpu.vector_load %arg18[%swap3A_125] {strides = array<i32>} : memref<4096xi32, #tpu.memory_space<vmem>>, vector<16xi32>,
        %swap3A_127 = vector.shape_cast %swap3A_126 : vector<16xi32> to vector<16xi32>
        %swap3A_128 = vector.shape_cast %select_n3A_124 : vector<16xi32> to vector<16xi32>
        tpu.vector_store %arg18[%swap3A_125], %swap3A_128 {strides = array<i32>} : memref<4096xi32, #tpu.memory_space<vmem>>, vector<16xi32>,
        %scan3A_129 = arith.constant 2 : i32
        %scan3A_130 = arith.addi %scan3A_100, %scan3A_129 : i32
        %mul3A_131 = arith.constant 1 : i32
        %mul3A_132 = arith.muli %scan3A_130, %mul3A_131 : i32
        %add3A_133 = arith.constant 0 : i32
        %add3A_134 = arith.addi %add3A_133, %mul3A_132 : i32
        %mul3A_135 = arith.constant 16 : i32
        %mul3A_136 = arith.muli %add3A_134, %mul3A_135 : i32
        %get3A_137 = arith.index_cast %mul3A_136 : i32 to index
        %get3A_138 = tpu.vector_load %arg14[%get3A_137] {strides = array<i32>} : memref<4096xf32, #tpu.memory_space<vmem>>, vector<16xf32>,
        %get3A_139 = vector.shape_cast %get3A_138 : vector<16xf32> to vector<16xf32>
        %gt3A_140 = arith.cmpf ogt, %get3A_139, %broadcast_in_dim3A_24 : vector<16xf32>
        %select_n3A_141 = arith.select %gt3A_140, %broadcast_in_dim3A_20, %broadcast_in_dim3A_22 : vector<16xi1>, vector<16xi32>
        %swap3A_142 = arith.index_cast %mul3A_136 : i32 to index
        %swap3A_143 = tpu.vector_load %arg18[%swap3A_142] {strides = array<i32>} : memref<4096xi32, #tpu.memory_space<vmem>>, vector<16xi32>,
        %swap3A_144 = vector.shape_cast %swap3A_143 : vector<16xi32> to vector<16xi32>
        %swap3A_145 = vector.shape_cast %select_n3A_141 : vector<16xi32> to vector<16xi32>
        tpu.vector_store %arg18[%swap3A_142], %swap3A_145 {strides = array<i32>} : memref<4096xi32, #tpu.memory_space<vmem>>, vector<16xi32>,
        %scan3A_146 = arith.constant 3 : i32
        %scan3A_147 = arith.addi %scan3A_100, %scan3A_146 : i32
        %mul3A_148 = arith.constant 1 : i32
        %mul3A_149 = arith.muli %scan3A_147, %mul3A_148 : i32
        %add3A_150 = arith.constant 0 : i32
        %add3A_151 = arith.addi %add3A_150, %mul3A_149 : i32
        %mul3A_152 = arith.constant 16 : i32
        %mul3A_153 = arith.muli %add3A_151, %mul3A_152 : i32
        %get3A_154 = arith.index_cast %mul3A_153 : i32 to index
        %get3A_155 = tpu.vector_load %arg14[%get3A_154] {strides = array<i32>} : memref<4096xf32, #tpu.memory_space<vmem>>, vector<16xf32>,
        %get3A_156 = vector.shape_cast %get3A_155 : vector<16xf32> to vector<16xf32>
        %gt3A_157 = arith.cmpf ogt, %get3A_156, %broadcast_in_dim3A_24 : vector<16xf32>
        %select_n3A_158 = arith.select %gt3A_157, %broadcast_in_dim3A_20, %broadcast_in_dim3A_22 : vector<16xi1>, vector<16xi32>
        %swap3A_159 = arith.index_cast %mul3A_153 : i32 to index
        %swap3A_160 = tpu.vector_load %arg18[%swap3A_159] {strides = array<i32>} : memref<4096xi32, #tpu.memory_space<vmem>>, vector<16xi32>,
        %swap3A_161 = vector.shape_cast %swap3A_160 : vector<16xi32> to vector<16xi32>
        %swap3A_162 = vector.shape_cast %select_n3A_158 : vector<16xi32> to vector<16xi32>
        tpu.vector_store %arg18[%swap3A_159], %swap3A_162 {strides = array<i32>} : memref<4096xi32, #tpu.memory_space<vmem>>, vector<16xi32>,
        %scan3A_163 = arith.constant 4 : i32
        %scan3A_164 = arith.addi %scan3A_100, %scan3A_163 : i32
        %mul3A_165 = arith.constant 1 : i32
        %mul3A_166 = arith.muli %scan3A_164, %mul3A_165 : i32
        %add3A_167 = arith.constant 0 : i32
        %add3A_168 = arith.addi %add3A_167, %mul3A_166 : i32
        %mul3A_169 = arith.constant 16 : i32
        %mul3A_170 = arith.muli %add3A_168, %mul3A_169 : i32
        %get3A_171 = arith.index_cast %mul3A_170 : i32 to index
        %get3A_172 = tpu.vector_load %arg14[%get3A_171] {strides = array<i32>} : memref<4096xf32, #tpu.memory_space<vmem>>, vector<16xf32>,
        %get3A_173 = vector.shape_cast %get3A_172 : vector<16xf32> to vector<16xf32>
        %gt3A_174 = arith.cmpf ogt, %get3A_173, %broadcast_in_dim3A_24 : vector<16xf32>
        %select_n3A_175 = arith.select %gt3A_174, %broadcast_in_dim3A_20, %broadcast_in_dim3A_22 : vector<16xi1>, vector<16xi32>
        %swap3A_176 = arith.index_cast %mul3A_170 : i32 to index
        %swap3A_177 = tpu.vector_load %arg18[%swap3A_176] {strides = array<i32>} : memref<4096xi32, #tpu.memory_space<vmem>>, vector<16xi32>,
        %swap3A_178 = vector.shape_cast %swap3A_177 : vector<16xi32> to vector<16xi32>
        %swap3A_179 = vector.shape_cast %select_n3A_175 : vector<16xi32> to vector<16xi32>
        tpu.vector_store %arg18[%swap3A_176], %swap3A_179 {strides = array<i32>} : memref<4096xi32, #tpu.memory_space<vmem>>, vector<16xi32>,
        %scan3A_180 = arith.constant 5 : i32
        %scan3A_181 = arith.addi %scan3A_100, %scan3A_180 : i32
        %mul3A_182 = arith.constant 1 : i32
        %mul3A_183 = arith.muli %scan3A_181, %mul3A_182 : i32
        %add3A_184 = arith.constant 0 : i32
        %add3A_185 = arith.addi %add3A_184, %mul3A_183 : i32
        %mul3A_186 = arith.constant 16 : i32
        %mul3A_187 = arith.muli %add3A_185, %mul3A_186 : i32
        %get3A_188 = arith.index_cast %mul3A_187 : i32 to index
        %get3A_189 = tpu.vector_load %arg14[%get3A_188] {strides = array<i32>} : memref<4096xf32, #tpu.memory_space<vmem>>, vector<16xf32>,
        %get3A_190 = vector.shape_cast %get3A_189 : vector<16xf32> to vector<16xf32>
        %gt3A_191 = arith.cmpf ogt, %get3A_190, %broadcast_in_dim3A_24 : vector<16xf32>
        %select_n3A_192 = arith.select %gt3A_191, %broadcast_in_dim3A_20, %broadcast_in_dim3A_22 : vector<16xi1>, vector<16xi32>
        %swap3A_193 = arith.index_cast %mul3A_187 : i32 to index
        %swap3A_194 = tpu.vector_load %arg18[%swap3A_193] {strides = array<i32>} : memref<4096xi32, #tpu.memory_space<vmem>>, vector<16xi32>,
        %swap3A_195 = vector.shape_cast %swap3A_194 : vector<16xi32> to vector<16xi32>
        %swap3A_196 = vector.shape_cast %select_n3A_192 : vector<16xi32> to vector<16xi32>
        tpu.vector_store %arg18[%swap3A_193], %swap3A_196 {strides = array<i32>} : memref<4096xi32, #tpu.memory_space<vmem>>, vector<16xi32>,
        %scan3A_197 = arith.constant 6 : i32
        %scan3A_198 = arith.addi %scan3A_100, %scan3A_197 : i32
        %mul3A_199 = arith.constant 1 : i32
        %mul3A_200 = arith.muli %scan3A_198, %mul3A_199 : i32
        %add3A_201 = arith.constant 0 : i32
        %add3A_202 = arith.addi %add3A_201, %mul3A_200 : i32
        %mul3A_203 = arith.constant 16 : i32
        %mul3A_204 = arith.muli %add3A_202, %mul3A_203 : i32
        %get3A_205 = arith.index_cast %mul3A_204 : i32 to index
        %get3A_206 = tpu.vector_load %arg14[%get3A_205] {strides = array<i32>} : memref<4096xf32, #tpu.memory_space<vmem>>, vector<16xf32>,
        %get3A_207 = vector.shape_cast %get3A_206 : vector<16xf32> to vector<16xf32>
        %gt3A_208 = arith.cmpf ogt, %get3A_207, %broadcast_in_dim3A_24 : vector<16xf32>
        %select_n3A_209 = arith.select %gt3A_208, %broadcast_in_dim3A_20, %broadcast_in_dim3A_22 : vector<16xi1>, vector<16xi32>
        %swap3A_210 = arith.index_cast %mul3A_204 : i32 to index
        %swap3A_211 = tpu.vector_load %arg18[%swap3A_210] {strides = array<i32>} : memref<4096xi32, #tpu.memory_space<vmem>>, vector<16xi32>,
        %swap3A_212 = vector.shape_cast %swap3A_211 : vector<16xi32> to vector<16xi32>
        %swap3A_213 = vector.shape_cast %select_n3A_209 : vector<16xi32> to vector<16xi32>
        tpu.vector_store %arg18[%swap3A_210], %swap3A_213 {strides = array<i32>} : memref<4096xi32, #tpu.memory_space<vmem>>, vector<16xi32>,
        %scan3A_214 = arith.constant 7 : i32
        %scan3A_215 = arith.addi %scan3A_100, %scan3A_214 : i32
        %mul3A_216 = arith.constant 1 : i32
        %mul3A_217 = arith.muli %scan3A_215, %mul3A_216 : i32
        %add3A_218 = arith.constant 0 : i32
        %add3A_219 = arith.addi %add3A_218, %mul3A_217 : i32
        %mul3A_220 = arith.constant 16 : i32
        %mul3A_221 = arith.muli %add3A_219, %mul3A_220 : i32
        %get3A_222 = arith.index_cast %mul3A_221 : i32 to index
        %get3A_223 = tpu.vector_load %arg14[%get3A_222] {strides = array<i32>} : memref<4096xf32, #tpu.memory_space<vmem>>, vector<16xf32>,
        %get3A_224 = vector.shape_cast %get3A_223 : vector<16xf32> to vector<16xf32>
        %gt3A_225 = arith.cmpf ogt, %get3A_224, %broadcast_in_dim3A_24 : vector<16xf32>
        %select_n3A_226 = arith.select %gt3A_225, %broadcast_in_dim3A_20, %broadcast_in_dim3A_22 : vector<16xi1>, vector<16xi32>
        %swap3A_227 = arith.index_cast %mul3A_221 : i32 to index
        %swap3A_228 = tpu.vector_load %arg18[%swap3A_227] {strides = array<i32>} : memref<4096xi32, #tpu.memory_space<vmem>>, vector<16xi32>,
        %swap3A_229 = vector.shape_cast %swap3A_228 : vector<16xi32> to vector<16xi32>
        %swap3A_230 = vector.shape_cast %select_n3A_226 : vector<16xi32> to vector<16xi32>
        tpu.vector_store %arg18[%swap3A_227], %swap3A_230 {strides = array<i32>} : memref<4096xi32, #tpu.memory_space<vmem>>, vector<16xi32>,
      }
      %scan3A_79 = arith.constant 256 : i32
      %dma_start3A_80 = arith.constant 0 : i32
      %dma_start3A_81 = tpu.memref_slice %arg7[%dma_start3A_80] : memref<131072xi32, #tpu.memory_space<vmem_shared>> -> memref<131072xi32, #tpu.memory_space<vmem_shared>>
      tpu.enqueue_indirect_dma source(%arg18 : memref<4096xi32, #tpu.memory_space<vmem>>) target(%dma_start3A_81 : memref<131072xi32, #tpu.memory_space<vmem_shared>>) offsets(%arg10 : memref<4096xi32, #tpu.memory_space<vmem>>) semaphore(%arg24 : memref<!tpu.dma_semaphore, #tpu.memory_space<semaphore_mem>>) {add = true}
      %dma_wait3A_82 = tpu.memref_slice %arg3[%add3A_45] : memref<262144xf32, #tpu.memory_space<hbm>> -> memref<4096xf32, #tpu.memory_space<hbm>>
      %dma_wait3A_83 = tpu.memref_slice %arg3[%add3A_45] : memref<262144xf32, #tpu.memory_space<hbm>> -> memref<4096xf32, #tpu.memory_space<hbm>>
      tpu.wait_dma2 semaphore(%arg22 : memref<!tpu.dma_semaphore, #tpu.memory_space<semaphore_mem>>) src(%dma_wait3A_83 : memref<4096xf32, #tpu.memory_space<hbm>>) dst(%arg15 : memref<4096xf32, #tpu.memory_space<vmem>>)
      %scan3A_84 = arith.constant 0 : i32
      %scan3A_85 = arith.constant 256 : i32
      %scan3A_86 = arith.addi %scan3A_84, %scan3A_85 : i32
      %scan3A_87 = arith.constant 8 : i32
      scf.for %scan3A_100 = %scan3A_84 to %scan3A_86 step %scan3A_87  : i32 {
        %mul3A_101 = arith.constant 1 : i32
        %mul3A_102 = arith.muli %scan3A_100, %mul3A_101 : i32
        %add3A_103 = arith.constant 0 : i32
        %add3A_104 = arith.addi %add3A_103, %mul3A_102 : i32
        %mul3A_105 = arith.constant 16 : i32
        %mul3A_106 = arith.muli %add3A_104, %mul3A_105 : i32
        %get3A = arith.index_cast %mul3A_106 : i32 to index
        %get3A_107 = tpu.vector_load %arg15[%get3A] {strides = array<i32>} : memref<4096xf32, #tpu.memory_space<vmem>>, vector<16xf32>,
        %get3A_108 = vector.shape_cast %get3A_107 : vector<16xf32> to vector<16xf32>
        %gt3A = arith.cmpf ogt, %get3A_108, %broadcast_in_dim3A_24 : vector<16xf32>
        %select_n3A = arith.select %gt3A, %broadcast_in_dim3A_20, %broadcast_in_dim3A_22 : vector<16xi1>, vector<16xi32>
        %swap3A = arith.index_cast %mul3A_106 : i32 to index
        %swap3A_109 = tpu.vector_load %arg19[%swap3A] {strides = array<i32>} : memref<4096xi32, #tpu.memory_space<vmem>>, vector<16xi32>,
        %swap3A_110 = vector.shape_cast %swap3A_109 : vector<16xi32> to vector<16xi32>
        %swap3A_111 = vector.shape_cast %select_n3A : vector<16xi32> to vector<16xi32>
        tpu.vector_store %arg19[%swap3A], %swap3A_111 {strides = array<i32>} : memref<4096xi32, #tpu.memory_space<vmem>>, vector<16xi32>,
        %scan3A_112 = arith.constant 1 : i32
        %scan3A_113 = arith.addi %scan3A_100, %scan3A_112 : i32
        %mul3A_114 = arith.constant 1 : i32
        %mul3A_115 = arith.muli %scan3A_113, %mul3A_114 : i32
        %add3A_116 = arith.constant 0 : i32
        %add3A_117 = arith.addi %add3A_116, %mul3A_115 : i32
        %mul3A_118 = arith.constant 16 : i32
        %mul3A_119 = arith.muli %add3A_117, %mul3A_118 : i32
        %get3A_120 = arith.index_cast %mul3A_119 : i32 to index
        %get3A_121 = tpu.vector_load %arg15[%get3A_120] {strides = array<i32>} : memref<4096xf32, #tpu.memory_space<vmem>>, vector<16xf32>,
        %get3A_122 = vector.shape_cast %get3A_121 : vector<16xf32> to vector<16xf32>
        %gt3A_123 = arith.cmpf ogt, %get3A_122, %broadcast_in_dim3A_24 : vector<16xf32>
        %select_n3A_124 = arith.select %gt3A_123, %broadcast_in_dim3A_20, %broadcast_in_dim3A_22 : vector<16xi1>, vector<16xi32>
        %swap3A_125 = arith.index_cast %mul3A_119 : i32 to index
        %swap3A_126 = tpu.vector_load %arg19[%swap3A_125] {strides = array<i32>} : memref<4096xi32, #tpu.memory_space<vmem>>, vector<16xi32>,
        %swap3A_127 = vector.shape_cast %swap3A_126 : vector<16xi32> to vector<16xi32>
        %swap3A_128 = vector.shape_cast %select_n3A_124 : vector<16xi32> to vector<16xi32>
        tpu.vector_store %arg19[%swap3A_125], %swap3A_128 {strides = array<i32>} : memref<4096xi32, #tpu.memory_space<vmem>>, vector<16xi32>,
        %scan3A_129 = arith.constant 2 : i32
        %scan3A_130 = arith.addi %scan3A_100, %scan3A_129 : i32
        %mul3A_131 = arith.constant 1 : i32
        %mul3A_132 = arith.muli %scan3A_130, %mul3A_131 : i32
        %add3A_133 = arith.constant 0 : i32
        %add3A_134 = arith.addi %add3A_133, %mul3A_132 : i32
        %mul3A_135 = arith.constant 16 : i32
        %mul3A_136 = arith.muli %add3A_134, %mul3A_135 : i32
        %get3A_137 = arith.index_cast %mul3A_136 : i32 to index
        %get3A_138 = tpu.vector_load %arg15[%get3A_137] {strides = array<i32>} : memref<4096xf32, #tpu.memory_space<vmem>>, vector<16xf32>,
        %get3A_139 = vector.shape_cast %get3A_138 : vector<16xf32> to vector<16xf32>
        %gt3A_140 = arith.cmpf ogt, %get3A_139, %broadcast_in_dim3A_24 : vector<16xf32>
        %select_n3A_141 = arith.select %gt3A_140, %broadcast_in_dim3A_20, %broadcast_in_dim3A_22 : vector<16xi1>, vector<16xi32>
        %swap3A_142 = arith.index_cast %mul3A_136 : i32 to index
        %swap3A_143 = tpu.vector_load %arg19[%swap3A_142] {strides = array<i32>} : memref<4096xi32, #tpu.memory_space<vmem>>, vector<16xi32>,
        %swap3A_144 = vector.shape_cast %swap3A_143 : vector<16xi32> to vector<16xi32>
        %swap3A_145 = vector.shape_cast %select_n3A_141 : vector<16xi32> to vector<16xi32>
        tpu.vector_store %arg19[%swap3A_142], %swap3A_145 {strides = array<i32>} : memref<4096xi32, #tpu.memory_space<vmem>>, vector<16xi32>,
        %scan3A_146 = arith.constant 3 : i32
        %scan3A_147 = arith.addi %scan3A_100, %scan3A_146 : i32
        %mul3A_148 = arith.constant 1 : i32
        %mul3A_149 = arith.muli %scan3A_147, %mul3A_148 : i32
        %add3A_150 = arith.constant 0 : i32
        %add3A_151 = arith.addi %add3A_150, %mul3A_149 : i32
        %mul3A_152 = arith.constant 16 : i32
        %mul3A_153 = arith.muli %add3A_151, %mul3A_152 : i32
        %get3A_154 = arith.index_cast %mul3A_153 : i32 to index
        %get3A_155 = tpu.vector_load %arg15[%get3A_154] {strides = array<i32>} : memref<4096xf32, #tpu.memory_space<vmem>>, vector<16xf32>,
        %get3A_156 = vector.shape_cast %get3A_155 : vector<16xf32> to vector<16xf32>
        %gt3A_157 = arith.cmpf ogt, %get3A_156, %broadcast_in_dim3A_24 : vector<16xf32>
        %select_n3A_158 = arith.select %gt3A_157, %broadcast_in_dim3A_20, %broadcast_in_dim3A_22 : vector<16xi1>, vector<16xi32>
        %swap3A_159 = arith.index_cast %mul3A_153 : i32 to index
        %swap3A_160 = tpu.vector_load %arg19[%swap3A_159] {strides = array<i32>} : memref<4096xi32, #tpu.memory_space<vmem>>, vector<16xi32>,
        %swap3A_161 = vector.shape_cast %swap3A_160 : vector<16xi32> to vector<16xi32>
        %swap3A_162 = vector.shape_cast %select_n3A_158 : vector<16xi32> to vector<16xi32>
        tpu.vector_store %arg19[%swap3A_159], %swap3A_162 {strides = array<i32>} : memref<4096xi32, #tpu.memory_space<vmem>>, vector<16xi32>,
        %scan3A_163 = arith.constant 4 : i32
        %scan3A_164 = arith.addi %scan3A_100, %scan3A_163 : i32
        %mul3A_165 = arith.constant 1 : i32
        %mul3A_166 = arith.muli %scan3A_164, %mul3A_165 : i32
        %add3A_167 = arith.constant 0 : i32
        %add3A_168 = arith.addi %add3A_167, %mul3A_166 : i32
        %mul3A_169 = arith.constant 16 : i32
        %mul3A_170 = arith.muli %add3A_168, %mul3A_169 : i32
        %get3A_171 = arith.index_cast %mul3A_170 : i32 to index
        %get3A_172 = tpu.vector_load %arg15[%get3A_171] {strides = array<i32>} : memref<4096xf32, #tpu.memory_space<vmem>>, vector<16xf32>,
        %get3A_173 = vector.shape_cast %get3A_172 : vector<16xf32> to vector<16xf32>
        %gt3A_174 = arith.cmpf ogt, %get3A_173, %broadcast_in_dim3A_24 : vector<16xf32>
        %select_n3A_175 = arith.select %gt3A_174, %broadcast_in_dim3A_20, %broadcast_in_dim3A_22 : vector<16xi1>, vector<16xi32>
        %swap3A_176 = arith.index_cast %mul3A_170 : i32 to index
        %swap3A_177 = tpu.vector_load %arg19[%swap3A_176] {strides = array<i32>} : memref<4096xi32, #tpu.memory_space<vmem>>, vector<16xi32>,
        %swap3A_178 = vector.shape_cast %swap3A_177 : vector<16xi32> to vector<16xi32>
        %swap3A_179 = vector.shape_cast %select_n3A_175 : vector<16xi32> to vector<16xi32>
        tpu.vector_store %arg19[%swap3A_176], %swap3A_179 {strides = array<i32>} : memref<4096xi32, #tpu.memory_space<vmem>>, vector<16xi32>,
        %scan3A_180 = arith.constant 5 : i32
        %scan3A_181 = arith.addi %scan3A_100, %scan3A_180 : i32
        %mul3A_182 = arith.constant 1 : i32
        %mul3A_183 = arith.muli %scan3A_181, %mul3A_182 : i32
        %add3A_184 = arith.constant 0 : i32
        %add3A_185 = arith.addi %add3A_184, %mul3A_183 : i32
        %mul3A_186 = arith.constant 16 : i32
        %mul3A_187 = arith.muli %add3A_185, %mul3A_186 : i32
        %get3A_188 = arith.index_cast %mul3A_187 : i32 to index
        %get3A_189 = tpu.vector_load %arg15[%get3A_188] {strides = array<i32>} : memref<4096xf32, #tpu.memory_space<vmem>>, vector<16xf32>,
        %get3A_190 = vector.shape_cast %get3A_189 : vector<16xf32> to vector<16xf32>
        %gt3A_191 = arith.cmpf ogt, %get3A_190, %broadcast_in_dim3A_24 : vector<16xf32>
        %select_n3A_192 = arith.select %gt3A_191, %broadcast_in_dim3A_20, %broadcast_in_dim3A_22 : vector<16xi1>, vector<16xi32>
        %swap3A_193 = arith.index_cast %mul3A_187 : i32 to index
        %swap3A_194 = tpu.vector_load %arg19[%swap3A_193] {strides = array<i32>} : memref<4096xi32, #tpu.memory_space<vmem>>, vector<16xi32>,
        %swap3A_195 = vector.shape_cast %swap3A_194 : vector<16xi32> to vector<16xi32>
        %swap3A_196 = vector.shape_cast %select_n3A_192 : vector<16xi32> to vector<16xi32>
        tpu.vector_store %arg19[%swap3A_193], %swap3A_196 {strides = array<i32>} : memref<4096xi32, #tpu.memory_space<vmem>>, vector<16xi32>,
        %scan3A_197 = arith.constant 6 : i32
        %scan3A_198 = arith.addi %scan3A_100, %scan3A_197 : i32
        %mul3A_199 = arith.constant 1 : i32
        %mul3A_200 = arith.muli %scan3A_198, %mul3A_199 : i32
        %add3A_201 = arith.constant 0 : i32
        %add3A_202 = arith.addi %add3A_201, %mul3A_200 : i32
        %mul3A_203 = arith.constant 16 : i32
        %mul3A_204 = arith.muli %add3A_202, %mul3A_203 : i32
        %get3A_205 = arith.index_cast %mul3A_204 : i32 to index
        %get3A_206 = tpu.vector_load %arg15[%get3A_205] {strides = array<i32>} : memref<4096xf32, #tpu.memory_space<vmem>>, vector<16xf32>,
        %get3A_207 = vector.shape_cast %get3A_206 : vector<16xf32> to vector<16xf32>
        %gt3A_208 = arith.cmpf ogt, %get3A_207, %broadcast_in_dim3A_24 : vector<16xf32>
        %select_n3A_209 = arith.select %gt3A_208, %broadcast_in_dim3A_20, %broadcast_in_dim3A_22 : vector<16xi1>, vector<16xi32>
        %swap3A_210 = arith.index_cast %mul3A_204 : i32 to index
        %swap3A_211 = tpu.vector_load %arg19[%swap3A_210] {strides = array<i32>} : memref<4096xi32, #tpu.memory_space<vmem>>, vector<16xi32>,
        %swap3A_212 = vector.shape_cast %swap3A_211 : vector<16xi32> to vector<16xi32>
        %swap3A_213 = vector.shape_cast %select_n3A_209 : vector<16xi32> to vector<16xi32>
        tpu.vector_store %arg19[%swap3A_210], %swap3A_213 {strides = array<i32>} : memref<4096xi32, #tpu.memory_space<vmem>>, vector<16xi32>,
        %scan3A_214 = arith.constant 7 : i32
        %scan3A_215 = arith.addi %scan3A_100, %scan3A_214 : i32
        %mul3A_216 = arith.constant 1 : i32
        %mul3A_217 = arith.muli %scan3A_215, %mul3A_216 : i32
        %add3A_218 = arith.constant 0 : i32
        %add3A_219 = arith.addi %add3A_218, %mul3A_217 : i32
        %mul3A_220 = arith.constant 16 : i32
        %mul3A_221 = arith.muli %add3A_219, %mul3A_220 : i32
        %get3A_222 = arith.index_cast %mul3A_221 : i32 to index
        %get3A_223 = tpu.vector_load %arg15[%get3A_222] {strides = array<i32>} : memref<4096xf32, #tpu.memory_space<vmem>>, vector<16xf32>,
        %get3A_224 = vector.shape_cast %get3A_223 : vector<16xf32> to vector<16xf32>
        %gt3A_225 = arith.cmpf ogt, %get3A_224, %broadcast_in_dim3A_24 : vector<16xf32>
        %select_n3A_226 = arith.select %gt3A_225, %broadcast_in_dim3A_20, %broadcast_in_dim3A_22 : vector<16xi1>, vector<16xi32>
        %swap3A_227 = arith.index_cast %mul3A_221 : i32 to index
        %swap3A_228 = tpu.vector_load %arg19[%swap3A_227] {strides = array<i32>} : memref<4096xi32, #tpu.memory_space<vmem>>, vector<16xi32>,
        %swap3A_229 = vector.shape_cast %swap3A_228 : vector<16xi32> to vector<16xi32>
        %swap3A_230 = vector.shape_cast %select_n3A_226 : vector<16xi32> to vector<16xi32>
        tpu.vector_store %arg19[%swap3A_227], %swap3A_230 {strides = array<i32>} : memref<4096xi32, #tpu.memory_space<vmem>>, vector<16xi32>,
      }
      %scan3A_88 = arith.constant 256 : i32
      %dma_start3A_89 = arith.constant 0 : i32
      %dma_start3A_90 = tpu.memref_slice %arg7[%dma_start3A_89] : memref<131072xi32, #tpu.memory_space<vmem_shared>> -> memref<131072xi32, #tpu.memory_space<vmem_shared>>
      tpu.enqueue_indirect_dma source(%arg19 : memref<4096xi32, #tpu.memory_space<vmem>>) target(%dma_start3A_90 : memref<131072xi32, #tpu.memory_space<vmem_shared>>) offsets(%arg11 : memref<4096xi32, #tpu.memory_space<vmem>>) semaphore(%arg24 : memref<!tpu.dma_semaphore, #tpu.memory_space<semaphore_mem>>) {add = true}
      %dma_wait3A_91 = arith.constant 0 : i32
      %dma_wait3A_92 = tpu.memref_slice %arg7[%dma_wait3A_91] : memref<131072xi32, #tpu.memory_space<vmem_shared>> -> memref<131072xi32, #tpu.memory_space<vmem_shared>>
      tpu.wait_indirect_dma semaphore(%arg24 : memref<!tpu.dma_semaphore, #tpu.memory_space<semaphore_mem>>) src(%arg16 : memref<4096xi32, #tpu.memory_space<vmem>>) dst(%dma_wait3A_92 : memref<131072xi32, #tpu.memory_space<vmem_shared>>)
      %dma_wait3A_93 = arith.constant 0 : i32
      %dma_wait3A_94 = tpu.memref_slice %arg7[%dma_wait3A_93] : memref<131072xi32, #tpu.memory_space<vmem_shared>> -> memref<131072xi32, #tpu.memory_space<vmem_shared>>
      tpu.wait_indirect_dma semaphore(%arg24 : memref<!tpu.dma_semaphore, #tpu.memory_space<semaphore_mem>>) src(%arg17 : memref<4096xi32, #tpu.memory_space<vmem>>) dst(%dma_wait3A_94 : memref<131072xi32, #tpu.memory_space<vmem_shared>>)
      %dma_wait3A_95 = arith.constant 0 : i32
      %dma_wait3A_96 = tpu.memref_slice %arg7[%dma_wait3A_95] : memref<131072xi32, #tpu.memory_space<vmem_shared>> -> memref<131072xi32, #tpu.memory_space<vmem_shared>>
      tpu.wait_indirect_dma semaphore(%arg24 : memref<!tpu.dma_semaphore, #tpu.memory_space<semaphore_mem>>) src(%arg18 : memref<4096xi32, #tpu.memory_space<vmem>>) dst(%dma_wait3A_96 : memref<131072xi32, #tpu.memory_space<vmem_shared>>)
      %dma_wait3A_97 = arith.constant 0 : i32
      %dma_wait3A_98 = tpu.memref_slice %arg7[%dma_wait3A_97] : memref<131072xi32, #tpu.memory_space<vmem_shared>> -> memref<131072xi32, #tpu.memory_space<vmem_shared>>
      tpu.wait_indirect_dma semaphore(%arg24 : memref<!tpu.dma_semaphore, #tpu.memory_space<semaphore_mem>>) src(%arg19 : memref<4096xi32, #tpu.memory_space<vmem>>) dst(%dma_wait3A_98 : memref<131072xi32, #tpu.memory_space<vmem_shared>>)
      %barrier3A_99 = arith.constant 0 : index
      tpu.barrier barrier_id(%barrier3A_99)
      "tpu.region"() ({
        %run_scoped3A = tpu.sem_alloc : memref<!tpu.dma_semaphore, #tpu.memory_space<semaphore_mem>>
        %dma_start3A_100 = tpu.memref_slice %arg6[%mul3A_19] : memref<131072xi32, #tpu.memory_space<hbm>> -> memref<8192xi32, #tpu.memory_space<hbm>>
        %dma_start3A_101 = tpu.memref_slice %arg7[%mul3A_19] : memref<131072xi32, #tpu.memory_space<vmem_shared>> -> memref<8192xi32, #tpu.memory_space<vmem_shared>>
        tpu.enqueue_dma source(%dma_start3A_101 : memref<8192xi32, #tpu.memory_space<vmem_shared>>) target(%dma_start3A_100 : memref<8192xi32, #tpu.memory_space<hbm>>) target_semaphore(%run_scoped3A : memref<!tpu.dma_semaphore, #tpu.memory_space<semaphore_mem>>)
        %dma_wait3A_102 = tpu.memref_slice %arg6[%mul3A_19] : memref<131072xi32, #tpu.memory_space<hbm>> -> memref<8192xi32, #tpu.memory_space<hbm>>
        %dma_wait3A_103 = tpu.memref_slice %arg7[%mul3A_19] : memref<131072xi32, #tpu.memory_space<vmem_shared>> -> memref<8192xi32, #tpu.memory_space<vmem_shared>>
        tpu.wait_dma2 semaphore(%run_scoped3A : memref<!tpu.dma_semaphore, #tpu.memory_space<semaphore_mem>>) src(%dma_wait3A_103 : memref<8192xi32, #tpu.memory_space<vmem_shared>>) dst(%dma_wait3A_102 : memref<8192xi32, #tpu.memory_space<hbm>>)
        tpu.yield
      }) : () -> ()
    } else {
    }
    return
  }
}

module attributes {stable_mosaic.version = 14 : i64} {
  func.func @_tc_body(%arg0: i32, %arg1: memref<3xf32, #tpu.memory_space<smem>>, %arg2: memref<512x1024xf32, #tpu.memory_space<vmem>>, %arg3: memref<1x1024xf32, #tpu.memory_space<vmem>>, %arg4: memref<1x1024xf32, #tpu.memory_space<vmem>>, %arg5: memref<1x1024xf32, #tpu.memory_space<vmem>>, %arg6: memref<1x1024xf32, #tpu.memory_space<vmem>>, %arg7: memref<1x1xf32, #tpu.memory_space<smem>>) attributes {dimension_semantics = [#tpu.dimension_semantics<arbitrary>], iteration_bounds = array<i64: 8>, scalar_prefetch = 0 : i64, scratch_operands = 0 : i64, tpu.core_type = #tpu.core_type<tc>, window_params = [{transform_indices = @transform_0, window_bounds = array<i64: 3>}, {transform_indices = @transform_1, window_bounds = array<i64: 512, 1024>}, {pipeline_mode = #tpu.pipeline_mode<synchronous>, transform_indices = @transform_2, window_bounds = array<i64: 1, 1024>}, {pipeline_mode = #tpu.pipeline_mode<synchronous>, transform_indices = @transform_3, window_bounds = array<i64: 1, 1024>}, {pipeline_mode = #tpu.pipeline_mode<synchronous>, transform_indices = @transform_4, window_bounds = array<i64: 1, 1024>}, {pipeline_mode = #tpu.pipeline_mode<synchronous>, transform_indices = @transform_5, window_bounds = array<i64: 1, 1024>}, {transform_indices = @transform_6, window_bounds = array<i64: 1, 1>}]} {
    %get3A = arith.constant 0 : index
    %get3A_0 = arith.constant 0 : index
    %get3A_1 = vector.load %arg2[%get3A, %get3A_0] : memref<512x1024xf32, #tpu.memory_space<vmem>>, vector<512x1024xf32>
    %mul3A = arith.mulf %get3A_1, %get3A_1 : vector<512x1024xf32>
    %reduce_sum3A = arith.constant dense<0.000000e+00> : vector<1024xf32>
    %reduce_sum3A_2 = vector.multi_reduction <add>, %get3A_1, %reduce_sum3A [0] : vector<512x1024xf32> to vector<1024xf32>
    %broadcast_in_dim3A = vector.shape_cast %reduce_sum3A_2 : vector<1024xf32> to vector<1x1024xf32>
    %reduce_sum3A_3 = arith.constant dense<0.000000e+00> : vector<1024xf32>
    %reduce_sum3A_4 = vector.multi_reduction <add>, %mul3A, %reduce_sum3A_3 [0] : vector<512x1024xf32> to vector<1024xf32>
    %broadcast_in_dim3A_5 = vector.shape_cast %reduce_sum3A_4 : vector<1024xf32> to vector<1x1024xf32>
    %reduce_sum3A_6 = arith.constant dense<0.000000e+00> : vector<512xf32>
    %reduce_sum3A_7 = vector.multi_reduction <add>, %mul3A, %reduce_sum3A_6 [1] : vector<512x1024xf32> to vector<512xf32>
    %broadcast_in_dim3A_8 = vector.shape_cast %reduce_sum3A_7 : vector<512xf32> to vector<512x1xf32>
    %sqrt3A = math.sqrt %broadcast_in_dim3A_8 : vector<512x1xf32>
    %reduce_sum3A_9 = vector.shape_cast %sqrt3A : vector<512x1xf32> to vector<1x512x1xf32>
    %reduce_sum3A_10 = arith.constant dense<0.000000e+00> : vector<1xf32>
    %reduce_sum3A_11 = vector.multi_reduction <add>, %reduce_sum3A_9, %reduce_sum3A_10 [1, 2] : vector<1x512x1xf32> to vector<1xf32>
    %reduce_sum3A_12 = vector.shape_cast %reduce_sum3A_11 : vector<1xf32> to vector<1x1x1xf32>
    %reduce_sum3A_13 = vector.extract %reduce_sum3A_12[0, 0, 0] : f32 from vector<1x1x1xf32>
    %eq3A = arith.constant 0 : i32
    %eq3A_14 = arith.cmpi eq, %arg0, %eq3A : i32
    %convert_element_type3A = arith.extui %eq3A_14 : i1 to i32
    %cond3A = arith.constant 0 : i32
    %cond3A_15 = arith.cmpi ne, %convert_element_type3A, %cond3A : i32
    scf.if %cond3A_15 {
      %swap3A = arith.constant 0 : index
      %swap3A_25 = arith.constant 0 : index
      %swap3A_26 = vector.load %arg5[%swap3A, %swap3A_25] : memref<1x1024xf32, #tpu.memory_space<vmem>>, vector<1x1024xf32>
      tpu.vector_store %arg5[%swap3A, %swap3A_25], %broadcast_in_dim3A {strides = array<i32>} : memref<1x1024xf32, #tpu.memory_space<vmem>>, vector<1x1024xf32>,
      %swap3A_27 = arith.constant 0 : index
      %swap3A_28 = arith.constant 0 : index
      %swap3A_29 = vector.load %arg6[%swap3A_27, %swap3A_28] : memref<1x1024xf32, #tpu.memory_space<vmem>>, vector<1x1024xf32>
      tpu.vector_store %arg6[%swap3A_27, %swap3A_28], %broadcast_in_dim3A_5 {strides = array<i32>} : memref<1x1024xf32, #tpu.memory_space<vmem>>, vector<1x1024xf32>,
      %swap3A_30 = arith.constant 0 : index
      %swap3A_31 = arith.constant 0 : index
      %swap3A_32 = memref.load %arg7[%swap3A_30, %swap3A_31] : memref<1x1xf32, #tpu.memory_space<smem>>
      memref.store %reduce_sum3A_13, %arg7[%swap3A_30, %swap3A_31] : memref<1x1xf32, #tpu.memory_space<smem>>
    } else {
    }
    %gt3A = arith.constant 0 : i32
    %gt3A_16 = arith.cmpi sgt, %arg0, %gt3A : i32
    %convert_element_type3A_17 = arith.extui %gt3A_16 : i1 to i32
    %cond3A_18 = arith.constant 0 : i32
    %cond3A_19 = arith.cmpi ne, %convert_element_type3A_17, %cond3A_18 : i32
    scf.if %cond3A_19 {
      %get3A_25 = arith.constant 0 : index
      %get3A_26 = arith.constant 0 : index
      %get3A_27 = vector.load %arg5[%get3A_25, %get3A_26] : memref<1x1024xf32, #tpu.memory_space<vmem>>, vector<1x1024xf32>
      %add3A = arith.addf %get3A_27, %broadcast_in_dim3A : vector<1x1024xf32>
      %swap3A = arith.constant 0 : index
      %swap3A_28 = arith.constant 0 : index
      %swap3A_29 = vector.load %arg5[%swap3A, %swap3A_28] : memref<1x1024xf32, #tpu.memory_space<vmem>>, vector<1x1024xf32>
      tpu.vector_store %arg5[%swap3A, %swap3A_28], %add3A {strides = array<i32>} : memref<1x1024xf32, #tpu.memory_space<vmem>>, vector<1x1024xf32>,
      %get3A_30 = arith.constant 0 : index
      %get3A_31 = arith.constant 0 : index
      %get3A_32 = vector.load %arg6[%get3A_30, %get3A_31] : memref<1x1024xf32, #tpu.memory_space<vmem>>, vector<1x1024xf32>
      %add3A_33 = arith.addf %get3A_32, %broadcast_in_dim3A_5 : vector<1x1024xf32>
      %swap3A_34 = arith.constant 0 : index
      %swap3A_35 = arith.constant 0 : index
      %swap3A_36 = vector.load %arg6[%swap3A_34, %swap3A_35] : memref<1x1024xf32, #tpu.memory_space<vmem>>, vector<1x1024xf32>
      tpu.vector_store %arg6[%swap3A_34, %swap3A_35], %add3A_33 {strides = array<i32>} : memref<1x1024xf32, #tpu.memory_space<vmem>>, vector<1x1024xf32>,
      %get3A_37 = arith.constant 0 : index
      %get3A_38 = arith.constant 0 : index
      %get3A_39 = memref.load %arg7[%get3A_37, %get3A_38] : memref<1x1xf32, #tpu.memory_space<smem>>
      %add3A_40 = arith.addf %get3A_39, %reduce_sum3A_13 : f32
      %swap3A_41 = arith.constant 0 : index
      %swap3A_42 = arith.constant 0 : index
      %swap3A_43 = memref.load %arg7[%swap3A_41, %swap3A_42] : memref<1x1xf32, #tpu.memory_space<smem>>
      memref.store %add3A_40, %arg7[%swap3A_41, %swap3A_42] : memref<1x1xf32, #tpu.memory_space<smem>>
    } else {
    }
    %eq3A_20 = arith.constant 7 : i32
    %eq3A_21 = arith.cmpi eq, %arg0, %eq3A_20 : i32
    %convert_element_type3A_22 = arith.extui %eq3A_21 : i1 to i32
    %cond3A_23 = arith.constant 0 : i32
    %cond3A_24 = arith.cmpi ne, %convert_element_type3A_22, %cond3A_23 : i32
    scf.if %cond3A_24 {
      %get3A_25 = arith.constant 0 : index
      %get3A_26 = memref.load %arg1[%get3A_25] : memref<3xf32, #tpu.memory_space<smem>>
      %get3A_27 = arith.constant 1 : index
      %get3A_28 = memref.load %arg1[%get3A_27] : memref<3xf32, #tpu.memory_space<smem>>
      %get3A_29 = arith.constant 0 : index
      %get3A_30 = arith.constant 0 : index
      %get3A_31 = vector.load %arg3[%get3A_29, %get3A_30] : memref<1x1024xf32, #tpu.memory_space<vmem>>, vector<1x1024xf32>
      %mul3A_32 = vector.broadcast %get3A_26 : f32 to vector<1x1024xf32>
      %mul3A_33 = arith.mulf %get3A_31, %mul3A_32 : vector<1x1024xf32>
      %get3A_34 = arith.constant 0 : index
      %get3A_35 = arith.constant 0 : index
      %get3A_36 = vector.load %arg5[%get3A_34, %get3A_35] : memref<1x1024xf32, #tpu.memory_space<vmem>>, vector<1x1024xf32>
      %mul3A_37 = vector.broadcast %get3A_28 : f32 to vector<1x1024xf32>
      %mul3A_38 = arith.mulf %get3A_36, %mul3A_37 : vector<1x1024xf32>
      %add3A = arith.addf %mul3A_33, %mul3A_38 : vector<1x1024xf32>
      %swap3A = arith.constant 0 : index
      %swap3A_39 = arith.constant 0 : index
      %swap3A_40 = vector.load %arg5[%swap3A, %swap3A_39] : memref<1x1024xf32, #tpu.memory_space<vmem>>, vector<1x1024xf32>
      tpu.vector_store %arg5[%swap3A, %swap3A_39], %add3A {strides = array<i32>} : memref<1x1024xf32, #tpu.memory_space<vmem>>, vector<1x1024xf32>,
      %get3A_41 = arith.constant 0 : index
      %get3A_42 = arith.constant 0 : index
      %get3A_43 = vector.load %arg4[%get3A_41, %get3A_42] : memref<1x1024xf32, #tpu.memory_space<vmem>>, vector<1x1024xf32>
      %mul3A_44 = vector.broadcast %get3A_26 : f32 to vector<1x1024xf32>
      %mul3A_45 = arith.mulf %get3A_43, %mul3A_44 : vector<1x1024xf32>
      %get3A_46 = arith.constant 0 : index
      %get3A_47 = arith.constant 0 : index
      %get3A_48 = vector.load %arg6[%get3A_46, %get3A_47] : memref<1x1024xf32, #tpu.memory_space<vmem>>, vector<1x1024xf32>
      %mul3A_49 = vector.broadcast %get3A_28 : f32 to vector<1x1024xf32>
      %mul3A_50 = arith.mulf %get3A_48, %mul3A_49 : vector<1x1024xf32>
      %add3A_51 = arith.addf %mul3A_45, %mul3A_50 : vector<1x1024xf32>
      %swap3A_52 = arith.constant 0 : index
      %swap3A_53 = arith.constant 0 : index
      %swap3A_54 = vector.load %arg6[%swap3A_52, %swap3A_53] : memref<1x1024xf32, #tpu.memory_space<vmem>>, vector<1x1024xf32>
      tpu.vector_store %arg6[%swap3A_52, %swap3A_53], %add3A_51 {strides = array<i32>} : memref<1x1024xf32, #tpu.memory_space<vmem>>, vector<1x1024xf32>,
      %get3A_55 = arith.constant 2 : index
      %get3A_56 = memref.load %arg1[%get3A_55] : memref<3xf32, #tpu.memory_space<smem>>
      %mul3A_57 = arith.mulf %get3A_56, %get3A_26 : f32
      %get3A_58 = arith.constant 0 : index
      %get3A_59 = arith.constant 0 : index
      %get3A_60 = memref.load %arg7[%get3A_58, %get3A_59] : memref<1x1xf32, #tpu.memory_space<smem>>
      %mul3A_61 = arith.mulf %get3A_60, %get3A_28 : f32
      %add3A_62 = arith.addf %mul3A_57, %mul3A_61 : f32
      %swap3A_63 = arith.constant 0 : index
      %swap3A_64 = arith.constant 0 : index
      %swap3A_65 = memref.load %arg7[%swap3A_63, %swap3A_64] : memref<1x1xf32, #tpu.memory_space<smem>>
      memref.store %add3A_62, %arg7[%swap3A_63, %swap3A_64] : memref<1x1xf32, #tpu.memory_space<smem>>
    } else {
    }
    return
  }
  func.func @transform_0(%arg0: i32) -> i32 {
    %c0_i32 = arith.constant 0 : i32
    %c0_i32_0 = arith.constant 0 : i32
    return %c0_i32 : i32
  }
  func.func @transform_1(%arg0: i32) -> (i32, i32) {
    %c0_i32 = arith.constant 0 : i32
    %c0_i32_0 = arith.constant 0 : i32
    return %arg0, %c0_i32 : i32, i32
  }
  func.func @transform_2(%arg0: i32) -> (i32, i32) {
    %c0_i32 = arith.constant 0 : i32
    %c0_i32_0 = arith.constant 0 : i32
    %c0_i32_1 = arith.constant 0 : i32
    return %c0_i32, %c0_i32_0 : i32, i32
  }
  func.func @transform_3(%arg0: i32) -> (i32, i32) {
    %c0_i32 = arith.constant 0 : i32
    %c0_i32_0 = arith.constant 0 : i32
    %c0_i32_1 = arith.constant 0 : i32
    return %c0_i32, %c0_i32_0 : i32, i32
  }
  func.func @transform_4(%arg0: i32) -> (i32, i32) {
    %c0_i32 = arith.constant 0 : i32
    %c0_i32_0 = arith.constant 0 : i32
    %c0_i32_1 = arith.constant 0 : i32
    return %c0_i32, %c0_i32_0 : i32, i32
  }
  func.func @transform_5(%arg0: i32) -> (i32, i32) {
    %c0_i32 = arith.constant 0 : i32
    %c0_i32_0 = arith.constant 0 : i32
    %c0_i32_1 = arith.constant 0 : i32
    return %c0_i32, %c0_i32_0 : i32, i32
  }
  func.func @transform_6(%arg0: i32) -> (i32, i32) {
    %c0_i32 = arith.constant 0 : i32
    %c0_i32_0 = arith.constant 0 : i32
    %c0_i32_1 = arith.constant 0 : i32
    return %c0_i32, %c0_i32_0 : i32, i32
  }
}

module attributes {stable_mosaic.version = 14 : i64} {
  func.func @_upd_body(%arg0: memref<3xf32, #tpu.memory_space<smem>>, %arg1: memref<131072xf32, #tpu.memory_space<vmem>>, %arg2: memref<131072xi32, #tpu.memory_space<vmem>>, %arg3: memref<131072xi32, #tpu.memory_space<vmem>>, %arg4: memref<131072xi32, #tpu.memory_space<vmem>>, %arg5: memref<131072xf32, #tpu.memory_space<vmem>>, %arg6: memref<131072xi32, #tpu.memory_space<vmem>>) attributes {dimension_semantics = [], scalar_prefetch = 0 : i64, scratch_operands = 0 : i64, tpu.core_type = #tpu.core_type<tc>} {
    %get3A = arith.constant 0 : index
    %get3A_0 = memref.load %arg0[%get3A] : memref<3xf32, #tpu.memory_space<smem>>
    %get3A_1 = arith.constant 1 : index
    %get3A_2 = memref.load %arg0[%get3A_1] : memref<3xf32, #tpu.memory_space<smem>>
    %get3A_3 = arith.constant 0 : index
    %get3A_4 = vector.load %arg3[%get3A_3] : memref<131072xi32, #tpu.memory_space<vmem>>, vector<131072xi32>
    %convert_element_type3A = arith.sitofp %get3A_4 : vector<131072xi32> to vector<131072xf32>
    %get3A_5 = arith.constant 0 : index
    %get3A_6 = vector.load %arg1[%get3A_5] : memref<131072xf32, #tpu.memory_space<vmem>>, vector<131072xf32>
    %mul3A = vector.broadcast %get3A_0 : f32 to vector<131072xf32>
    %mul3A_7 = arith.mulf %get3A_6, %mul3A : vector<131072xf32>
    %mul3A_8 = vector.broadcast %get3A_2 : f32 to vector<131072xf32>
    %mul3A_9 = arith.mulf %convert_element_type3A, %mul3A_8 : vector<131072xf32>
    %add3A = arith.addf %mul3A_7, %mul3A_9 : vector<131072xf32>
    %swap3A = arith.constant 0 : index
    %swap3A_10 = vector.load %arg5[%swap3A] : memref<131072xf32, #tpu.memory_space<vmem>>, vector<131072xf32>
    tpu.vector_store %arg5[%swap3A], %add3A {strides = array<i32>} : memref<131072xf32, #tpu.memory_space<vmem>>, vector<131072xf32>,
    %get3A_11 = arith.constant 0 : index
    %get3A_12 = vector.load %arg4[%get3A_11] : memref<131072xi32, #tpu.memory_space<vmem>>, vector<131072xi32>
    %gt3A = arith.constant 0 : i32
    %gt3A_13 = vector.broadcast %gt3A : i32 to vector<131072xi32>
    %gt3A_14 = arith.cmpi sgt, %get3A_12, %gt3A_13 : vector<131072xi32>
    %get3A_15 = arith.constant 0 : index
    %get3A_16 = vector.load %arg2[%get3A_15] : memref<131072xi32, #tpu.memory_space<vmem>>, vector<131072xi32>
    %add3A_17 = arith.constant 1 : i32
    %add3A_18 = vector.broadcast %add3A_17 : i32 to vector<131072xi32>
    %add3A_19 = arith.addi %get3A_16, %add3A_18 : vector<131072xi32>
    %jit3A = arith.constant 0 : i32
    %broadcast_in_dim3A = vector.broadcast %jit3A : i32 to vector<131072xi32>
    %select_n3A = arith.select %gt3A_14, %broadcast_in_dim3A, %add3A_19 : vector<131072xi1>, vector<131072xi32>
    %swap3A_20 = arith.constant 0 : index
    %swap3A_21 = vector.load %arg6[%swap3A_20] : memref<131072xi32, #tpu.memory_space<vmem>>, vector<131072xi32>
    tpu.vector_store %arg6[%swap3A_20], %select_n3A {strides = array<i32>} : memref<131072xi32, #tpu.memory_space<vmem>>, vector<131072xi32>,
    return
  }
}

</mosaic_0001>

<sc_bundles>
// kernel: kernel.5.cloned.1.call-start
scs
__scs_entry_jumppad:
0x0: {  	(pc) =	sbr.rel $0x88, $3  }
0x1: {  	(tag) =	ssettag $0x0;
	lr =	simm.s32 $0x1  }
0x2: {  	[smem:$0x3F98] =	sst lr;
	_ =	strace $0xD0000000  }
0x3: {  	_ = 	snop  }
0x4: {  	_ = 	snop  }
0x5: {  	_ = 	snop  }
0x6: {  	_ = 	snop  }
0x7: {  	_ = 	snop  }
__scs_overlays_trampoline_lowered:
0x8: {  	[smem:$0x3FA7] =	sst s0  }
0x9: {  	[smem:$0x3FA8] =	sst s1  }
0xa: {  	[smem:$0x3FA9] =	sst s2  }
0xb: {  	[smem:$0x3FAA] =	sst s3  }
0xc: {  	[smem:$0x3FAB] =	sst s4  }
0xd: {  	[smem:$0x3FAC] =	sst s5  }
0xe: {  	[smem:$0x3FAD] =	sst s6  }
0xf: {  	[smem:$0x3FAE] =	sst s7  }
0x10: {  	[smem:$0x3FAF] =	sst s8  }
0x11: {  	[smem:$0x3FB0] =	sst s9;
	s0 =	simm.s32 @!p0 $0x0  }
0x12: {  	s1 =	sld [smem:$0x3F96];
	s0 =	simm.s32 @p0 $0x1  }
0x13: {  	[smem:$0x3FB1] =	sst s0;
	s0 =	simm.s32 @!p1 $0x0  }
0x14: {  	s2 =	sld [smem:$0x3F95];
	s0 =	simm.s32 @p1 $0x1  }
0x15: {  	[smem:$0x3FB2] =	sst s0;
	s0 =	simm.s32 @!p2 $0x0  }
0x16: {  	s3 =	sld [smem:$0x3FDB];
	s0 =	simm.s32 @p2 $0x1  }
0x17: {  	s4 =	simm.s32 $0x1BF5;
	[smem:$0x3FB4] =	sst s0  }
0x18: {  	s0 =	sld [smem:$0x3F97];
	_ =	swait.ge [sflag:s4], $0x0  }
0x19: {  	s7 =	sld [smem:$0x3F98]  }
0x1a: {  	s8 =	sadd.s32 $0xFFFFE003, lr  }
0x1b: {  	s9 =	sadd.s32 $0xFFFFFEF7, lr;
	s5 =	simm.s32 $0xFFFFFFFF;
	p2 =	slt.u32 s8, $0xFFFFF086  }
0x1c: {  	p1 =	slt.u32 s9, $0xF7A;
	s5 =	simm.s32 @!p2 $0x0  }
0x1d: {  	s5 =	simm.s32 @p1 $0x1;
	p0 =	seq.s32 s7, s2  }
0x1e: {  	s7 =	smul.u32 @!p0 $0xF7A, s2;
	p2 =	seq.s32 @!p0 s5, $0x0  }
0x1f: {  	s9 =	smul.u32 $0xF7A, s1;
	s8 =	simm.s32 @!p0 $0x1BF5;
	p2 =	por !p2, p0  }
0x20: {  	[sflag:s8] =	ssyncset.s32 @!p0 $0xFFFFF086;
	s6 =	sadd.s32 @!p0 s3, s7;
	s7 =	simm.s32 @!p0 $0x108  }
0x21: {  	s3 =	sadd.s32 s3, s9;
	s6 =	sadd.s32 @!p0 $0x88, s6;
	s7 =	simm.s32 @p2 $0x1082  }
0x22: {  	[simem:s7], [sflag:s8] =	dma.local @!p0 [hbm:s6], $0xF7A  }
0x23: {  	s9 =	sor.u32 $0xD0000000, s2;
	s6 =	simm.s32 $0x108;
	_ =	swait.ge @!p0 [sflag:s8], $0x0  }
0x24: {  	s3 =	sadd.s32 $0x88, s3;
	s6 =	simm.s32 @!p1 $0x1082;
	[sflag:s4] =	ssyncset.s32 $0xFFFFF086  }
0x25: {  	[simem:s6], [sflag:s4] =	dma.local [hbm:s3], $0xF7A  }
0x26: {  	[smem:$0x3F98] =	sst s1;
	(tag) =	ssettag s2;
	_ =	strace s9  }
0x27: {  	s1 =	sld [smem:$0x3FA8]  }
0x28: {  	s2 =	sld [smem:$0x3FA9]  }
0x29: {  	s4 =	sld [smem:$0x3FAB]  }
0x2a: {  	p0 =	seq.s32 s5, $0x0;
	s5 =	sld [smem:$0x3FAC]  }
0x2b: {  	s6 =	sld [smem:$0x3FAD]  }
0x2c: {  	s7 =	sld [smem:$0x3FAE]  }
0x2d: {  	s3 =	simm.s32 $0x108;
	s8 =	sld [smem:$0x3FAF]  }
0x2e: {  	s3 =	simm.s32 @!p0 $0x1082;
	s9 =	sld [smem:$0x3FB0]  }
0x2f: {  	lr =	sadd.s32 s0, s3;
	s0 =	sld [smem:$0x3FA7]  }
0x30: {  	s3 =	sld [smem:$0x3FAA]  }
0x31: {  	[smem:$0x3FB3] =	sst s10  }
0x32: {  	s10 =	sld [smem:$0x3FB1];
	_ =	sdelay $0x3  }
0x33: {  	p0 =	seq.s32 s10, $0x1;
	s10 =	sld [smem:$0x3FB3];
	_ =	sdelay $0x3  }
0x34: {  	[smem:$0x3FB3] =	sst s10  }
0x35: {  	s10 =	sld [smem:$0x3FB2];
	_ =	sdelay $0x3  }
0x36: {  	p1 =	seq.s32 s10, $0x1;
	s10 =	sld [smem:$0x3FB3];
	_ =	sdelay $0x3  }
0x37: {  	[smem:$0x3FB3] =	sst s10  }
0x38: {  	s10 =	sld [smem:$0x3FB4]  }
0x39: {  	_ = 	snop;
	(pc) =	sbr.ind lr, $3  }
0x3a: {  	_ = 	snop  }
0x3b: {  	_ = 	snop  }
0x3c: {  	p2 =	seq.s32 s10, $0x1;
	s10 =	sld [smem:$0x3FB3]  }
0x3d: {  	_ =	shalt  }
0x3e: {  	_ =	shalt  }
0x3f: {  	_ =	shalt  }
0x40: {  	_ =	shalt  }
0x41: {  	_ =	shalt  }
0x42: {  	_ =	shalt  }
0x43: {  	_ =	shalt  }
0x44: {  	_ =	shalt  }
0x45: {  	_ =	shalt  }
0x46: {  	_ =	shalt  }
0x47: {  	_ =	shalt  }
0x48: {  	_ =	shalt  }
0x49: {  	_ =	shalt  }
0x4a: {  	_ =	shalt  }
0x4b: {  	_ =	shalt  }
0x4c: {  	_ =	shalt  }
0x4d: {  	_ =	shalt  }
0x4e: {  	_ =	shalt  }
0x4f: {  	_ =	shalt  }
0x50: {  	_ =	shalt  }
0x51: {  	_ =	shalt  }
0x52: {  	_ =	shalt  }
0x53: {  	_ =	shalt  }
0x54: {  	_ =	shalt  }
0x55: {  	_ =	shalt  }
0x56: {  	_ =	shalt  }
0x57: {  	_ =	shalt  }
0x58: {  	_ =	shalt  }
0x59: {  	_ =	shalt  }
0x5a: {  	_ =	shalt  }
0x5b: {  	_ =	shalt  }
0x5c: {  	_ =	shalt  }
0x5d: {  	_ =	shalt  }
0x5e: {  	_ =	shalt  }
0x5f: {  	_ =	shalt  }
0x60: {  	_ =	shalt  }
0x61: {  	_ =	shalt  }
0x62: {  	_ =	shalt  }
0x63: {  	_ =	shalt  }
0x64: {  	_ =	shalt  }
0x65: {  	_ =	shalt  }
0x66: {  	_ =	shalt  }
0x67: {  	_ =	shalt  }
0x68: {  	_ =	shalt  }
0x69: {  	_ =	shalt  }
0x6a: {  	_ =	shalt  }
0x6b: {  	_ =	shalt  }
0x6c: {  	_ =	shalt  }
0x6d: {  	_ =	shalt  }
0x6e: {  	_ =	shalt  }
0x6f: {  	_ =	shalt  }
0x70: {  	_ =	shalt  }
0x71: {  	_ =	shalt  }
0x72: {  	_ =	shalt  }
0x73: {  	_ =	shalt  }
0x74: {  	_ =	shalt  }
0x75: {  	_ =	shalt  }
0x76: {  	_ =	shalt  }
0x77: {  	_ =	shalt  }
0x78: {  	_ =	shalt  }
0x79: {  	_ =	shalt  }
0x7a: {  	_ =	shalt  }
0x7b: {  	_ =	shalt  }
0x7c: {  	_ =	shalt  }
0x7d: {  	_ =	shalt  }
0x7e: {  	_ =	shalt  }
0x7f: {  	_ =	shalt  }
0x80: {  	_ =	shalt  }
0x81: {  	_ =	shalt  }
0x82: {  	_ =	shalt  }
0x83: {  	_ =	shalt  }
0x84: {  	_ =	shalt  }
0x85: {  	_ =	shalt  }
0x86: {  	_ =	shalt  }
0x87: {  	_ =	shalt  }
.Lfunc_end0:
.L_simem_size_0:
called_computation_lowered:
.L_overlay_start_0:
0x88: {  	s2 =	sld [smem:$0x3FD9]  }
0x89: {  	s3 =	sld [smem:$0x3FFE];
	_ =	sdelay $0x1  }
0x8a: {  	s1 =	srdreg.scid  }
0x8b: {  	s0 =	sand.u32 $0x1, s1  }
0x8c: {  	s14 =	sshll.u32 s0, $0xA;
	s2 =	sadd.s32 s3, s2  }
0x8d: {  	s2 =	sadd.s32 s2, s14  }
0x8e: {  	[smem:$0x3FBF] =	sst s2  }
0x8f: {  	_ = 	snop  }
0x90: {  	s2 =	sld [smem:$0x3FD0];
	_ =	sdelay $0x2  }
0x91: {  	s15 =	simm.s32 $0xA;
	s4 =	simm.s32 $0x10  }
0x92: {  	[smem:s4], [sflag:s15] =	dma.local [hbm:s2], $0x1  }
0x93: {  	_ =	swait.eq [sflag:s15], $0x1  }
0x94: {  	[sflag:s15] =	ssyncset.done $0x0  }
0x95: {  	s16 =	sld [smem:$0x13];
	[sflag:s15] =	ssyncadd.s32 $0xFFFFFFFF  }
0x96: {  	s17 =	sld [smem:$0x14];
	(tm) =	ssettm $0x1  }
0x97: {  	s18 =	sld [smem:$0x3FFB];
	_ =	sdelay $0x3  }
0x98: {  	_ =	strace s18  }
0x99: {  	s4 =	sld [smem:$0x3FFC];
	_ =	sdelay $0x3  }
0x9a: {  	_ =	strace s4  }
0x9b: {  	s4 =	sld [smem:$0x3FFD];
	_ =	sdelay $0x3  }
0x9c: {  	_ =	strace s4  }
0x9d: {  	_ =	strace $0x8FFFFFFF  }
0x9e: {  	s19 =	sld [smem:$0x3FDB];
	_ =	sdelay $0x1  }
0x9f: {  	s5 =	simm.s32 $_scs_section_size  }
0xa0: {  	s6 =	simm.s32 $_size__tile_overlayer_lowered;
	s7 =	simm.s32 $_tile_overlayer_lowered  }
0xa1: {  	s22 =	simm.s32 $0x1BFF;
	s21 =	sshll.u32 s7, $0x1;
	s4 =	sadd.s32 s5, s19  }
0xa2: {  	s8 =	simm.s32 $0x0;
	s20 =	sshll.u32 s6, $0x1;
	s6 =	sadd.s32 s21, s4  }
0xa3: {  	[timem:s8], [sflag:s22] =	dma.local [hbm:s6], s20  }
0xa4: {  	_ =	swait.ge [sflag:s22], s20  }
0xa5: {  	s5 =	ssub.s32 $0x0, s20;
	[sflag:s22] =	ssyncset.done $0x0  }
0xa6: {  	[sflag:s22] =	ssyncadd.s32 s5;
	_ =	sdelay $0x1  }
0xa7: {  	s23 =	simm.s32 $0x1B8B  }
0xa8: {  	_ =	swait.ge [sflag:s23], $0x1  }
0xa9: {  	[sflag:s23] =	ssyncset.done $0x0  }
0xaa: {  	s25 =	simm.s32 $0x1B8E;
	s24 =	sld [smem:$0x3FFE];
	[sflag:s23] =	ssyncadd.s32 $0xFFFFFFFF  }
0xab: {  	s26 =	simm.s32 $execute0_lowered;
	[smem:$0x3FD2] =	sst s25  }
0xac: {  	s6 =	sshll.u32 s26, $0x1;
	_ =	strace $0x80000046;
	[dreg:$0x1] =	wrdreg $0xFFFFFFFF  }
0xad: {  	s28 =	simm.s32 $_size_execute0_lowered;
	s4 =	sadd.s32 s4, s6;
	[dreg:$0x0] =	wrdreg $0x0  }
0xae: {  	s6 =	sshll.u32 s28, $0x1;
	[dreg:$0x2] =	wrdreg s4  }
0xaf: {  	[dreg:$0x3] =	wrdreg s6  }
0xb0: {  	[dreg:$0x4] =	wrdreg $0xC0  }
0xb1: {  	_ =	task [dreg:s8], $0x5FFFF  }
0xb2: {  	[dreg:$0x1] =	wrdreg $0xFFFFFFFF  }
0xb3: {  	[dreg:$0x0] =	wrdreg $0x60  }
0xb4: {  	[dreg:$0x2] =	wrdreg s24  }
0xb5: {  	[dreg:$0x3] =	wrdreg s17  }
0xb6: {  	[dreg:$0x4] =	wrdreg s16  }
0xb7: {  	[dreg:$0x5] =	wrdreg $0x0  }
0xb8: {  	[dreg:$0x6] =	wrdreg $0x9  }
0xb9: {  	_ =	task.clear_ibuf [dreg:s8], $0x7FFFF;
	_ =	strace $0x90000046  }
0xba: {  	s29 =	simm.s32 $0x9;
	_ =	strace $0x80000048  }
0xbb: {  	_ =	swait.ge [sflag:s29], $0x1  }
0xbc: {  	[sflag:s29] =	ssyncadd.s32 $0xFFFFFFFF  }
0xbd: {  	_ =	strace $0x90000048  }
0xbe: {  	_ =	sfence  }
0xbf: {  	s30 =	sld [smem:$0x0];
	_ =	sdelay $0x2  }
0xc0: {  	s31 =	sshll.u32 s1, $0xD;
	s1 =	sshrl.u32 s1, $0x2  }
0xc1: {  	s3 =	sand.u32 $0x4000, s31;
	s1 =	sadd.s32 s1, s30  }
0xc2: {  	s0 =	sor.u32 s3, s0;
	s1 =	sshll.u32 s1, $0x11  }
0xc3: {  	s0 =	sor.u32 s1, s0  }
0xc4: {  	s0 =	sadd.s32 $0x8F2B, s0  }
0xc5: {  	[sflag:s0] =	ssyncadd.remote.s32 $0x1  }
0xc6: {  	_ =	sfence.sel $0xFFFF  }
0xc7: {  	[dreg:$0x0] =	wrdreg $0xFFFFFFFF;
	(pc) =	sbr.abs _section_cstart, $3  }
0xc8: {  	[dreg:$0x1] =	wrdreg $0xFFFFFFFF  }
0xc9: {  	_ =	task.clear_ibuf [dreg:s8], $0x2FFFF;
	_ =	strace $0x9FFFFFFF  }
0xca: {  	(tm) =	ssettm $0x7FFFFFFF  }
0xcb: {  	_ =	shalt  }
tec
execute0_lowered:
.L_overlay_start_1:
0x0: {  	(tag) =	ssettag $0x1  }
0x1: {  	s0 =	rddreg [dreg:$0x0]  }
0x2: {  	s3 =	rddreg [dreg:$0x3];
	s4 =	simm.s32 $0x0  }
0x3: {  	s1 =	srdreg.scid;
	s14 =	stileid.u32;
	s20 =	simm.s32 $0x2000  }
0x4: {  	s21 =	simm.s32 $0x3000;
	s22 =	simm.s32 $0x4000;
	s23 =	simm.s32 $0x5000  }
0x5: {  	s29 =	simm.s32 $0x2;
	s30 =	simm.s32 $0x3;
	s31 =	simm.s32 $0x1  }
0x6: {  	s24 =	simm.s32 $0x4;
	[smem:$0x7FF] =	sst s4;
	s1 =	sand.u32 $0x1, s1  }
0x7: {  	s2 =	sadd.s32 $0x1A00, s0;
	s18 =	sadd.s32 $0x9A00, s0;
	s6 =	sadd.s32 $0x11A00, s0  }
0x8: {  	s26 =	sshll.u32 s14, $0xB;
	s28 =	sshll.u32 s14, $0xD;
	s11 =	sshll.u32 s14, $0x6  }
0x9: {  	s14 =	sshll.u32 s14, $0xA;
	s0 =	simm.s32 $0x1000;
	_ =	strace $0x80000047  }
0xa: {  	s5 =	ssub.s32 $0x2, s1;
	s16 =	sor.u32 $0x200, s26;
	s17 =	sor.u32 $0x400, s26  }
0xb: {  	s19 =	sor.u32 $0x600, s26;
	s12 =	sadd.s32 s28, s3;
	s13 =	sor.u32 $0x1C03, s11  }
.Ltmp0:
0xc: {  	p0 =	seq.s32 s1, $0x1;
	s15 =	sadd.s32 s18, s26;
	(pc) =	sbr.rel .LBB2_1-.Ltmp0, $4  }
0xd: {  	s7 =	sshrl.u32 s5, $0x1;
	s8 =	sadd.s32 s2, s16;
	s9 =	sadd.s32 s2, s17  }
0xe: {  	s10 =	sadd.s32 s2, s19;
	s16 =	sadd.s32 s18, s16;
	s17 =	sadd.s32 s18, s17  }
0xf: {  	s18 =	sadd.s32 s18, s19;
	s25 =	ssub.s32 s5, s7;
	s7 =	sadd.s32 s2, s26  }
0x10: {  	v0 =	vimm.s32 $0x0;
	v1 =	vimm.s32 $0x1;
	s26 =	simm.s32 $0x0;
	s19 =	smax.u32 s25, $0x1;
	s25 =	simm.s32 $0x5  }
.LBB2_13:
0x11: {  	s2 =	simm.s32 $0xD000;
	s1 =	rddreg [dreg:$0x2]  }
.LBB2_14:
0x12: {  	[spmem:s3] =	stream.indirect.scatter.add.s32 [tilespmem:s2], [sflag:$0x4], $0x1, s23, s0, $0xb8;
	[tilespmem:$0xF000] =	vst v63  }
0x13: {  	_ =	swait.ge [sflag:s24], $0x1000  }
0x14: {  	[sflag:s24] =	ssyncset.done $0x0  }
0x15: {  	[sflag:s24] =	ssyncadd.s32 $0xFFFFF000  }
0x16: {  	_ =	swait.ge [sflag:s24], $0x1000  }
0x17: {  	[sflag:s24] =	ssyncset.done $0x0  }
0x18: {  	[sflag:s24] =	ssyncadd.s32 $0xFFFFF000  }
0x19: {  	_ =	swait.ge [sflag:s24], $0x1000  }
0x1a: {  	[sflag:s24] =	ssyncset.done $0x0  }
0x1b: {  	[sflag:s24] =	ssyncadd.s32 $0xFFFFF000  }
0x1c: {  	_ =	swait.ge [sflag:s24], $0x1000  }
0x1d: {  	s26 =	sadd.s32 $0x1, s26;
	[sflag:s24] =	ssyncset.done $0x0  }
0x1e: {  	s1 =	sadd.s32 s1, s14;
	p1 =	sne.s32 s26, s19;
	[sflag:s24] =	ssyncadd.s32 $0xFFFFF000  }
.Ltmp1:
0x1f: {  	s5 =	sor.u32 $0x1C05, s11;
	[bflag:$0x0] =	sbarrier.arrive $0xFFFF;
	(pc) =	sbr.rel @!p1 .LBB2_15-.Ltmp1, $4  }
0x20: {  	[hbm:s1], [sflag:s5] =	dma.local [spmem:s28], $0x400  }
0x21: {  	_ =	swait.ge [sflag:s25], $0x400  }
0x22: {  	[sflag:s25] =	ssyncset.done $0x0  }
0x23: {  	[sflag:s25] =	ssyncadd.s32 $0xFFFFFC00  }
.LBB2_1:
0x24: {  	[tilespmem:s20], [sflag:$0x1] =	stream.linear.gather [hbm4b:s7+s4], $0x1000, $0x38;
	[tilespmem:$0xF000] =	vst v63  }
0x25: {  	_ = 	snop  }
0x26: {  	[tilespmem:s21], [sflag:$0x1] =	stream.linear.gather [hbm4b:s8+s4], $0x1000, $0x38;
	[tilespmem:$0xF000] =	vst v63  }
.Ltmp2:
0x27: {  	_ = 	snop;
	(pc) =	sbr.rel @!p0 .LBB2_2-.Ltmp2, $4  }
0x28: {  	[tilespmem:s22], [sflag:$0x1] =	stream.linear.gather [hbm4b:s9+s4], $0x1000, $0x38;
	[tilespmem:$0xF000] =	vst v63  }
0x29: {  	s28 =	sshrl.u32 s12, $0x3  }
0x2a: {  	[tilespmem:s23], [sflag:$0x1] =	stream.linear.gather [hbm4b:s10+s4], $0x1000, $0x38;
	[tilespmem:$0xF000] =	vst v63  }
0x2b: {  	[spmem:s28], [sflag:s13] =	dma.local [hbm:s6], $0x400  }
0x2c: {  	s1 =	simm.s32 $0x6000  }
0x2d: {  	[tilespmem:s1], [sflag:$0x2] =	stream.linear.gather [hbm4b:s15+s4], $0x1000, $0x38;
	[tilespmem:$0xF000] =	vst v63  }
0x2e: {  	s5 =	simm.s32 $0x7000  }
0x2f: {  	[tilespmem:s5], [sflag:$0x2] =	stream.linear.gather [hbm4b:s16+s4], $0x1000, $0x38;
	[tilespmem:$0xF000] =	vst v63  }
0x30: {  	s2 =	simm.s32 $0x8000  }
0x31: {  	[tilespmem:s2], [sflag:$0x2] =	stream.linear.gather [hbm4b:s17+s4], $0x1000, $0x38;
	[tilespmem:$0xF000] =	vst v63  }
0x32: {  	s5 =	simm.s32 $0x9000  }
0x33: {  	[tilespmem:s5], [sflag:$0x2] =	stream.linear.gather [hbm4b:s18+s4], $0x1000, $0x38;
	[tilespmem:$0xF000] =	vst v63  }
0x34: {  	_ =	swait.ge [sflag:s29], $0x1000  }
0x35: {  	[sflag:s29] =	ssyncset.done $0x0  }
0x36: {  	s2 =	simm.s32 $0x6040;
	[sflag:s29] =	ssyncadd.s32 $0xFFFFF000  }
0x37: {  	v2 =	vld [tilespmem:s2+$0xFFFFFFC0];
	_ =	sdelay $0x4  }
0x38: {  	vm0 =	vgt.f32 v2, $9.999999770e-03  }
0x39: {  	s5 =	simm.s32 $0xA040;
	v2 =	vsel vm0, $0x1, v0  }
0x3a: {  	[tilespmem:s5+$0xFFFFFFC0] =	vst v2  }
0x3b: {  	v2 =	vld [tilespmem:s2+$0xFFFFFFD0];
	_ =	sdelay $0x4  }
0x3c: {  	vm9 =	vgt.f32 v2, $9.999999770e-03  }
0x3d: {  	v2 =	vsel vm9, $0x1, v0  }
0x3e: {  	[tilespmem:s5+$0xFFFFFFD0] =	vst v2  }
0x3f: {  	v2 =	vld [tilespmem:s2+$0xFFFFFFE0];
	_ =	sdelay $0x4  }
0x40: {  	vm10 =	vgt.f32 v2, $9.999999770e-03  }
0x41: {  	v2 =	vsel vm10, $0x1, v0  }
0x42: {  	[tilespmem:s5+$0xFFFFFFE0] =	vst v2  }
0x43: {  	v2 =	vld [tilespmem:s2+$0xFFFFFFF0];
	_ =	sdelay $0x4  }
0x44: {  	vm11 =	vgt.f32 v2, $9.999999770e-03  }
0x45: {  	v2 =	vsel vm11, $0x1, v0  }
0x46: {  	[tilespmem:s5+$0xFFFFFFF0] =	vst v2  }
0x47: {  	v2 =	vld [tilespmem:s2+$0x0];
	_ =	sdelay $0x4  }
0x48: {  	vm12 =	vgt.f32 v2, $9.999999770e-03  }
0x49: {  	v2 =	vsel vm12, $0x1, v0  }
0x4a: {  	[tilespmem:s5+$0x0] =	vst v2  }
0x4b: {  	v2 =	vld [tilespmem:s2+$0x10];
	_ =	sdelay $0x4  }
0x4c: {  	vm13 =	vgt.f32 v2, $9.999999770e-03  }
0x4d: {  	v2 =	vsel vm13, $0x1, v0  }
0x4e: {  	[tilespmem:s5+$0x10] =	vst v2  }
0x4f: {  	v2 =	vld [tilespmem:s2+$0x20];
	_ =	sdelay $0x4  }
0x50: {  	vm14 =	vgt.f32 v2, $9.999999770e-03  }
0x51: {  	v2 =	vsel vm14, $0x1, v0  }
0x52: {  	[tilespmem:s5+$0x20] =	vst v2  }
0x53: {  	v2 =	vld [tilespmem:s2+$0x30];
	_ =	sdelay $0x4  }
0x54: {  	vm15 =	vgt.f32 v2, $9.999999770e-03  }
0x55: {  	v2 =	vsel vm15, $0x1, v0  }
0x56: {  	s1 =	simm.s32 $0x0;
	s2 =	simm.s32 $0x60C0;
	[tilespmem:s5+$0x30] =	vst v2  }
.LBB2_6:
0x57: {  	v2 =	vld [tilespmem:s2+$0xFFFFFFC0];
	s1 =	sadd.s32 $0x8, s1  }
0x58: {  	p1 =	slt.u32 s1, $0xF8;
	_ =	sdelay $0x3  }
0x59: {  	vm0 =	vgt.f32 v2, $9.999999770e-03  }
0x5a: {  	s5 =	sadd.s32 $0x80, s5;
	v2 =	vsel vm0, $0x1, v0  }
0x5b: {  	[tilespmem:s5+$0xFFFFFFC0] =	vst v2  }
0x5c: {  	v2 =	vld [tilespmem:s2+$0xFFFFFFD0];
	_ =	sdelay $0x4  }
0x5d: {  	vm0 =	vgt.f32 v2, $9.999999770e-03  }
0x5e: {  	v2 =	vsel vm0, $0x1, v0  }
0x5f: {  	[tilespmem:s5+$0xFFFFFFD0] =	vst v2  }
0x60: {  	v2 =	vld [tilespmem:s2+$0xFFFFFFE0];
	_ =	sdelay $0x4  }
0x61: {  	vm0 =	vgt.f32 v2, $9.999999770e-03  }
0x62: {  	v2 =	vsel vm0, $0x1, v0  }
0x63: {  	[tilespmem:s5+$0xFFFFFFE0] =	vst v2  }
0x64: {  	v2 =	vld [tilespmem:s2+$0xFFFFFFF0];
	_ =	sdelay $0x4  }
0x65: {  	vm0 =	vgt.f32 v2, $9.999999770e-03  }
0x66: {  	v2 =	vsel vm0, $0x1, v0  }
0x67: {  	[tilespmem:s5+$0xFFFFFFF0] =	vst v2  }
0x68: {  	v2 =	vld [tilespmem:s2+$0x0];
	_ =	sdelay $0x4  }
0x69: {  	vm0 =	vgt.f32 v2, $9.999999770e-03  }
0x6a: {  	v2 =	vsel vm0, $0x1, v0  }
0x6b: {  	[tilespmem:s5+$0x0] =	vst v2  }
0x6c: {  	v2 =	vld [tilespmem:s2+$0x10];
	_ =	sdelay $0x4  }
0x6d: {  	vm0 =	vgt.f32 v2, $9.999999770e-03  }
0x6e: {  	v2 =	vsel vm0, $0x1, v0  }
0x6f: {  	[tilespmem:s5+$0x10] =	vst v2  }
0x70: {  	v2 =	vld [tilespmem:s2+$0x20];
	_ =	sdelay $0x4  }
0x71: {  	vm0 =	vgt.f32 v2, $9.999999770e-03  }
0x72: {  	v2 =	vsel vm0, $0x1, v0  }
0x73: {  	[tilespmem:s5+$0x20] =	vst v2  }
0x74: {  	v2 =	vld [tilespmem:s2+$0x30];
	_ =	sdelay $0x2  }
.Ltmp3:
0x75: {  	(pc) =	sbr.rel @p1 .LBB2_6-.Ltmp3, $4  }
0x76: {  	_ = 	snop  }
0x77: {  	vm0 =	vgt.f32 v2, $9.999999770e-03  }
0x78: {  	v2 =	vsel vm0, $0x1, v0  }
0x79: {  	s2 =	sadd.s32 $0x80, s2;
	[tilespmem:s5+$0x30] =	vst v2  }
0x7a: {  	_ =	swait.ge [sflag:s30], $0x400  }
0x7b: {  	[sflag:s30] =	ssyncset.done $0x0  }
0x7c: {  	[sflag:s30] =	ssyncadd.s32 $0xFFFFFC00  }
0x7d: {  	[bflag:$0x0] =	sbarrier.arrive $0xFFFF  }
0x7e: {  	_ =	swait.ge [sflag:s31], $0x1000  }
0x7f: {  	[sflag:s31] =	ssyncset.done $0x0  }
0x80: {  	[sflag:s31] =	ssyncadd.s32 $0xFFFFF000  }
0x81: {  	_ =	swait.ge [sflag:s31], $0x1000  }
0x82: {  	[sflag:s31] =	ssyncset.done $0x0  }
0x83: {  	[sflag:s31] =	ssyncadd.s32 $0xFFFFF000  }
0x84: {  	_ =	swait.ge [sflag:s31], $0x1000  }
0x85: {  	[sflag:s31] =	ssyncset.done $0x0  }
0x86: {  	[sflag:s31] =	ssyncadd.s32 $0xFFFFF000  }
0x87: {  	_ =	swait.ge [sflag:s31], $0x1000  }
0x88: {  	[sflag:s31] =	ssyncset.done $0x0  }
0x89: {  	s1 =	simm.s32 $0xA000;
	[sflag:s31] =	ssyncadd.s32 $0xFFFFF000  }
0x8a: {  	[spmem:s3] =	stream.indirect.scatter.add.s32 [tilespmem:s1], [sflag:$0x4], $0x1, s20, s0, $0xb8;
	[tilespmem:$0xF000] =	vst v63  }
0x8b: {  	_ =	swait.ge [sflag:s29], $0x1000  }
0x8c: {  	[sflag:s29] =	ssyncset.done $0x0  }
0x8d: {  	s2 =	simm.s32 $0x7040;
	[sflag:s29] =	ssyncadd.s32 $0xFFFFF000  }
0x8e: {  	v2 =	vld [tilespmem:s2+$0xFFFFFFC0];
	_ =	sdelay $0x4  }
0x8f: {  	vm0 =	vgt.f32 v2, $9.999999770e-03  }
0x90: {  	s5 =	simm.s32 $0xB040;
	v2 =	vsel vm0, $0x1, v0  }
0x91: {  	[tilespmem:s5+$0xFFFFFFC0] =	vst v2  }
0x92: {  	v2 =	vld [tilespmem:s2+$0xFFFFFFD0];
	_ =	sdelay $0x4  }
0x93: {  	vm9 =	vgt.f32 v2, $9.999999770e-03  }
0x94: {  	v2 =	vsel vm9, $0x1, v0  }
0x95: {  	[tilespmem:s5+$0xFFFFFFD0] =	vst v2  }
0x96: {  	v2 =	vld [tilespmem:s2+$0xFFFFFFE0];
	_ =	sdelay $0x4  }
0x97: {  	vm10 =	vgt.f32 v2, $9.999999770e-03  }
0x98: {  	v2 =	vsel vm10, $0x1, v0  }
0x99: {  	[tilespmem:s5+$0xFFFFFFE0] =	vst v2  }
0x9a: {  	v2 =	vld [tilespmem:s2+$0xFFFFFFF0];
	_ =	sdelay $0x4  }
0x9b: {  	vm11 =	vgt.f32 v2, $9.999999770e-03  }
0x9c: {  	v2 =	vsel vm11, $0x1, v0  }
0x9d: {  	[tilespmem:s5+$0xFFFFFFF0] =	vst v2  }
0x9e: {  	v2 =	vld [tilespmem:s2+$0x0];
	_ =	sdelay $0x4  }
0x9f: {  	vm12 =	vgt.f32 v2, $9.999999770e-03  }
0xa0: {  	v2 =	vsel vm12, $0x1, v0  }
0xa1: {  	[tilespmem:s5+$0x0] =	vst v2  }
0xa2: {  	v2 =	vld [tilespmem:s2+$0x10];
	_ =	sdelay $0x4  }
0xa3: {  	vm13 =	vgt.f32 v2, $9.999999770e-03  }
0xa4: {  	v2 =	vsel vm13, $0x1, v0  }
0xa5: {  	[tilespmem:s5+$0x10] =	vst v2  }
0xa6: {  	v2 =	vld [tilespmem:s2+$0x20];
	_ =	sdelay $0x4  }
0xa7: {  	vm14 =	vgt.f32 v2, $9.999999770e-03  }
0xa8: {  	v2 =	vsel vm14, $0x1, v0  }
0xa9: {  	[tilespmem:s5+$0x20] =	vst v2  }
0xaa: {  	v2 =	vld [tilespmem:s2+$0x30];
	_ =	sdelay $0x4  }
0xab: {  	vm15 =	vgt.f32 v2, $9.999999770e-03  }
0xac: {  	v2 =	vsel vm15, $0x1, v0  }
0xad: {  	s1 =	simm.s32 $0x0;
	s2 =	simm.s32 $0x70C0;
	[tilespmem:s5+$0x30] =	vst v2  }
.LBB2_8:
0xae: {  	v2 =	vld [tilespmem:s2+$0xFFFFFFC0];
	s1 =	sadd.s32 $0x8, s1  }
0xaf: {  	p1 =	slt.u32 s1, $0xF8;
	_ =	sdelay $0x3  }
0xb0: {  	vm0 =	vgt.f32 v2, $9.999999770e-03  }
0xb1: {  	s5 =	sadd.s32 $0x80, s5;
	v2 =	vsel vm0, $0x1, v0  }
0xb2: {  	[tilespmem:s5+$0xFFFFFFC0] =	vst v2  }
0xb3: {  	v2 =	vld [tilespmem:s2+$0xFFFFFFD0];
	_ =	sdelay $0x4  }
0xb4: {  	vm0 =	vgt.f32 v2, $9.999999770e-03  }
0xb5: {  	v2 =	vsel vm0, $0x1, v0  }
0xb6: {  	[tilespmem:s5+$0xFFFFFFD0] =	vst v2  }
0xb7: {  	v2 =	vld [tilespmem:s2+$0xFFFFFFE0];
	_ =	sdelay $0x4  }
0xb8: {  	vm0 =	vgt.f32 v2, $9.999999770e-03  }
0xb9: {  	v2 =	vsel vm0, $0x1, v0  }
0xba: {  	[tilespmem:s5+$0xFFFFFFE0] =	vst v2  }
0xbb: {  	v2 =	vld [tilespmem:s2+$0xFFFFFFF0];
	_ =	sdelay $0x4  }
0xbc: {  	vm0 =	vgt.f32 v2, $9.999999770e-03  }
0xbd: {  	v2 =	vsel vm0, $0x1, v0  }
0xbe: {  	[tilespmem:s5+$0xFFFFFFF0] =	vst v2  }
0xbf: {  	v2 =	vld [tilespmem:s2+$0x0];
	_ =	sdelay $0x4  }
0xc0: {  	vm0 =	vgt.f32 v2, $9.999999770e-03  }
0xc1: {  	v2 =	vsel vm0, $0x1, v0  }
0xc2: {  	[tilespmem:s5+$0x0] =	vst v2  }
0xc3: {  	v2 =	vld [tilespmem:s2+$0x10];
	_ =	sdelay $0x4  }
0xc4: {  	vm0 =	vgt.f32 v2, $9.999999770e-03  }
0xc5: {  	v2 =	vsel vm0, $0x1, v0  }
0xc6: {  	[tilespmem:s5+$0x10] =	vst v2  }
0xc7: {  	v2 =	vld [tilespmem:s2+$0x20];
	_ =	sdelay $0x4  }
0xc8: {  	vm0 =	vgt.f32 v2, $9.999999770e-03  }
0xc9: {  	v2 =	vsel vm0, $0x1, v0  }
0xca: {  	[tilespmem:s5+$0x20] =	vst v2  }
0xcb: {  	v2 =	vld [tilespmem:s2+$0x30];
	_ =	sdelay $0x2  }
.Ltmp4:
0xcc: {  	(pc) =	sbr.rel @p1 .LBB2_8-.Ltmp4, $4  }
0xcd: {  	_ = 	snop  }
0xce: {  	vm0 =	vgt.f32 v2, $9.999999770e-03  }
0xcf: {  	v2 =	vsel vm0, $0x1, v0  }
0xd0: {  	s2 =	sadd.s32 $0x80, s2;
	[tilespmem:s5+$0x30] =	vst v2  }
0xd1: {  	s1 =	simm.s32 $0xB000  }
0xd2: {  	[spmem:s3] =	stream.indirect.scatter.add.s32 [tilespmem:s1], [sflag:$0x4], $0x1, s21, s0, $0xb8;
	[tilespmem:$0xF000] =	vst v63  }
0xd3: {  	_ =	swait.ge [sflag:s29], $0x1000  }
0xd4: {  	[sflag:s29] =	ssyncset.done $0x0  }
0xd5: {  	s2 =	simm.s32 $0x8040;
	[sflag:s29] =	ssyncadd.s32 $0xFFFFF000  }
0xd6: {  	v2 =	vld [tilespmem:s2+$0xFFFFFFC0];
	_ =	sdelay $0x4  }
0xd7: {  	vm0 =	vgt.f32 v2, $9.999999770e-03  }
0xd8: {  	s5 =	simm.s32 $0xC040;
	v2 =	vsel vm0, $0x1, v0  }
0xd9: {  	[tilespmem:s5+$0xFFFFFFC0] =	vst v2  }
0xda: {  	v2 =	vld [tilespmem:s2+$0xFFFFFFD0];
	_ =	sdelay $0x4  }
0xdb: {  	vm9 =	vgt.f32 v2, $9.999999770e-03  }
0xdc: {  	v2 =	vsel vm9, $0x1, v0  }
0xdd: {  	[tilespmem:s5+$0xFFFFFFD0] =	vst v2  }
0xde: {  	v2 =	vld [tilespmem:s2+$0xFFFFFFE0];
	_ =	sdelay $0x4  }
0xdf: {  	vm10 =	vgt.f32 v2, $9.999999770e-03  }
0xe0: {  	v2 =	vsel vm10, $0x1, v0  }
0xe1: {  	[tilespmem:s5+$0xFFFFFFE0] =	vst v2  }
0xe2: {  	v2 =	vld [tilespmem:s2+$0xFFFFFFF0];
	_ =	sdelay $0x4  }
0xe3: {  	vm11 =	vgt.f32 v2, $9.999999770e-03  }
0xe4: {  	v2 =	vsel vm11, $0x1, v0  }
0xe5: {  	[tilespmem:s5+$0xFFFFFFF0] =	vst v2  }
0xe6: {  	v2 =	vld [tilespmem:s2+$0x0];
	_ =	sdelay $0x4  }
0xe7: {  	vm12 =	vgt.f32 v2, $9.999999770e-03  }
0xe8: {  	v2 =	vsel vm12, $0x1, v0  }
0xe9: {  	[tilespmem:s5+$0x0] =	vst v2  }
0xea: {  	v2 =	vld [tilespmem:s2+$0x10];
	_ =	sdelay $0x4  }
0xeb: {  	vm13 =	vgt.f32 v2, $9.999999770e-03  }
0xec: {  	v2 =	vsel vm13, $0x1, v0  }
0xed: {  	[tilespmem:s5+$0x10] =	vst v2  }
0xee: {  	v2 =	vld [tilespmem:s2+$0x20];
	_ =	sdelay $0x4  }
0xef: {  	vm14 =	vgt.f32 v2, $9.999999770e-03  }
0xf0: {  	v2 =	vsel vm14, $0x1, v0  }
0xf1: {  	[tilespmem:s5+$0x20] =	vst v2  }
0xf2: {  	v2 =	vld [tilespmem:s2+$0x30];
	_ =	sdelay $0x4  }
0xf3: {  	vm15 =	vgt.f32 v2, $9.999999770e-03  }
0xf4: {  	v2 =	vsel vm15, $0x1, v0  }
0xf5: {  	s1 =	simm.s32 $0x0;
	s2 =	simm.s32 $0x80C0;
	[tilespmem:s5+$0x30] =	vst v2  }
.LBB2_10:
0xf6: {  	v2 =	vld [tilespmem:s2+$0xFFFFFFC0];
	s1 =	sadd.s32 $0x8, s1  }
0xf7: {  	p1 =	slt.u32 s1, $0xF8;
	_ =	sdelay $0x3  }
0xf8: {  	vm0 =	vgt.f32 v2, $9.999999770e-03  }
0xf9: {  	s5 =	sadd.s32 $0x80, s5;
	v2 =	vsel vm0, $0x1, v0  }
0xfa: {  	[tilespmem:s5+$0xFFFFFFC0] =	vst v2  }
0xfb: {  	v2 =	vld [tilespmem:s2+$0xFFFFFFD0];
	_ =	sdelay $0x4  }
0xfc: {  	vm0 =	vgt.f32 v2, $9.999999770e-03  }
0xfd: {  	v2 =	vsel vm0, $0x1, v0  }
0xfe: {  	[tilespmem:s5+$0xFFFFFFD0] =	vst v2  }
0xff: {  	v2 =	vld [tilespmem:s2+$0xFFFFFFE0];
	_ =	sdelay $0x4  }
0x100: {  	vm0 =	vgt.f32 v2, $9.999999770e-03  }
0x101: {  	v2 =	vsel vm0, $0x1, v0  }
0x102: {  	[tilespmem:s5+$0xFFFFFFE0] =	vst v2  }
0x103: {  	v2 =	vld [tilespmem:s2+$0xFFFFFFF0];
	_ =	sdelay $0x4  }
0x104: {  	vm0 =	vgt.f32 v2, $9.999999770e-03  }
0x105: {  	v2 =	vsel vm0, $0x1, v0  }
0x106: {  	[tilespmem:s5+$0xFFFFFFF0] =	vst v2  }
0x107: {  	v2 =	vld [tilespmem:s2+$0x0];
	_ =	sdelay $0x4  }
0x108: {  	vm0 =	vgt.f32 v2, $9.999999770e-03  }
0x109: {  	v2 =	vsel vm0, $0x1, v0  }
0x10a: {  	[tilespmem:s5+$0x0] =	vst v2  }
0x10b: {  	v2 =	vld [tilespmem:s2+$0x10];
	_ =	sdelay $0x4  }
0x10c: {  	vm0 =	vgt.f32 v2, $9.999999770e-03  }
0x10d: {  	v2 =	vsel vm0, $0x1, v0  }
0x10e: {  	[tilespmem:s5+$0x10] =	vst v2  }
0x10f: {  	v2 =	vld [tilespmem:s2+$0x20];
	_ =	sdelay $0x4  }
0x110: {  	vm0 =	vgt.f32 v2, $9.999999770e-03  }
0x111: {  	v2 =	vsel vm0, $0x1, v0  }
0x112: {  	[tilespmem:s5+$0x20] =	vst v2  }
0x113: {  	v2 =	vld [tilespmem:s2+$0x30];
	_ =	sdelay $0x2  }
.Ltmp5:
0x114: {  	(pc) =	sbr.rel @p1 .LBB2_10-.Ltmp5, $4  }
0x115: {  	_ = 	snop  }
0x116: {  	vm0 =	vgt.f32 v2, $9.999999770e-03  }
0x117: {  	v2 =	vsel vm0, $0x1, v0  }
0x118: {  	s2 =	sadd.s32 $0x80, s2;
	[tilespmem:s5+$0x30] =	vst v2  }
0x119: {  	s1 =	simm.s32 $0xC000  }
0x11a: {  	[spmem:s3] =	stream.indirect.scatter.add.s32 [tilespmem:s1], [sflag:$0x4], $0x1, s22, s0, $0xb8;
	[tilespmem:$0xF000] =	vst v63  }
0x11b: {  	_ =	swait.ge [sflag:s29], $0x1000  }
0x11c: {  	[sflag:s29] =	ssyncset.done $0x0  }
0x11d: {  	s2 =	simm.s32 $0x9040;
	[sflag:s29] =	ssyncadd.s32 $0xFFFFF000  }
0x11e: {  	v2 =	vld [tilespmem:s2+$0xFFFFFFC0];
	_ =	sdelay $0x4  }
0x11f: {  	vm0 =	vgt.f32 v2, $9.999999770e-03  }
0x120: {  	s5 =	simm.s32 $0xD040;
	v2 =	vsel vm0, $0x1, v0  }
0x121: {  	[tilespmem:s5+$0xFFFFFFC0] =	vst v2  }
0x122: {  	v2 =	vld [tilespmem:s2+$0xFFFFFFD0];
	_ =	sdelay $0x4  }
0x123: {  	vm9 =	vgt.f32 v2, $9.999999770e-03  }
0x124: {  	v2 =	vsel vm9, $0x1, v0  }
0x125: {  	[tilespmem:s5+$0xFFFFFFD0] =	vst v2  }
0x126: {  	v2 =	vld [tilespmem:s2+$0xFFFFFFE0];
	_ =	sdelay $0x4  }
0x127: {  	vm10 =	vgt.f32 v2, $9.999999770e-03  }
0x128: {  	v2 =	vsel vm10, $0x1, v0  }
0x129: {  	[tilespmem:s5+$0xFFFFFFE0] =	vst v2  }
0x12a: {  	v2 =	vld [tilespmem:s2+$0xFFFFFFF0];
	_ =	sdelay $0x4  }
0x12b: {  	vm11 =	vgt.f32 v2, $9.999999770e-03  }
0x12c: {  	v2 =	vsel vm11, $0x1, v0  }
0x12d: {  	[tilespmem:s5+$0xFFFFFFF0] =	vst v2  }
0x12e: {  	v2 =	vld [tilespmem:s2+$0x0];
	_ =	sdelay $0x4  }
0x12f: {  	vm12 =	vgt.f32 v2, $9.999999770e-03  }
0x130: {  	v2 =	vsel vm12, $0x1, v0  }
0x131: {  	[tilespmem:s5+$0x0] =	vst v2  }
0x132: {  	v2 =	vld [tilespmem:s2+$0x10];
	_ =	sdelay $0x4  }
0x133: {  	vm13 =	vgt.f32 v2, $9.999999770e-03  }
0x134: {  	v2 =	vsel vm13, $0x1, v0  }
0x135: {  	[tilespmem:s5+$0x10] =	vst v2  }
0x136: {  	v2 =	vld [tilespmem:s2+$0x20];
	_ =	sdelay $0x4  }
0x137: {  	vm14 =	vgt.f32 v2, $9.999999770e-03  }
0x138: {  	v2 =	vsel vm14, $0x1, v0  }
0x139: {  	[tilespmem:s5+$0x20] =	vst v2  }
0x13a: {  	v2 =	vld [tilespmem:s2+$0x30];
	_ =	sdelay $0x4  }
0x13b: {  	vm15 =	vgt.f32 v2, $9.999999770e-03  }
0x13c: {  	v2 =	vsel vm15, $0x1, v0  }
0x13d: {  	s1 =	simm.s32 $0x0;
	s2 =	simm.s32 $0x90C0;
	[tilespmem:s5+$0x30] =	vst v2  }
.LBB2_12:
0x13e: {  	v2 =	vld [tilespmem:s2+$0xFFFFFFC0];
	s1 =	sadd.s32 $0x8, s1  }
0x13f: {  	p1 =	slt.u32 s1, $0xF8;
	_ =	sdelay $0x3  }
0x140: {  	vm0 =	vgt.f32 v2, $9.999999770e-03  }
0x141: {  	s5 =	sadd.s32 $0x80, s5;
	v2 =	vsel vm0, $0x1, v0  }
0x142: {  	[tilespmem:s5+$0xFFFFFFC0] =	vst v2  }
0x143: {  	v2 =	vld [tilespmem:s2+$0xFFFFFFD0];
	_ =	sdelay $0x4  }
0x144: {  	vm0 =	vgt.f32 v2, $9.999999770e-03  }
0x145: {  	v2 =	vsel vm0, $0x1, v0  }
0x146: {  	[tilespmem:s5+$0xFFFFFFD0] =	vst v2  }
0x147: {  	v2 =	vld [tilespmem:s2+$0xFFFFFFE0];
	_ =	sdelay $0x4  }
0x148: {  	vm0 =	vgt.f32 v2, $9.999999770e-03  }
0x149: {  	v2 =	vsel vm0, $0x1, v0  }
0x14a: {  	[tilespmem:s5+$0xFFFFFFE0] =	vst v2  }
0x14b: {  	v2 =	vld [tilespmem:s2+$0xFFFFFFF0];
	_ =	sdelay $0x4  }
0x14c: {  	vm0 =	vgt.f32 v2, $9.999999770e-03  }
0x14d: {  	v2 =	vsel vm0, $0x1, v0  }
0x14e: {  	[tilespmem:s5+$0xFFFFFFF0] =	vst v2  }
0x14f: {  	v2 =	vld [tilespmem:s2+$0x0];
	_ =	sdelay $0x4  }
0x150: {  	vm0 =	vgt.f32 v2, $9.999999770e-03  }
0x151: {  	v2 =	vsel vm0, $0x1, v0  }
0x152: {  	[tilespmem:s5+$0x0] =	vst v2  }
0x153: {  	v2 =	vld [tilespmem:s2+$0x10];
	_ =	sdelay $0x4  }
0x154: {  	vm0 =	vgt.f32 v2, $9.999999770e-03  }
0x155: {  	v2 =	vsel vm0, $0x1, v0  }
0x156: {  	[tilespmem:s5+$0x10] =	vst v2  }
0x157: {  	v2 =	vld [tilespmem:s2+$0x20];
	_ =	sdelay $0x4  }
0x158: {  	vm0 =	vgt.f32 v2, $9.999999770e-03  }
0x159: {  	v2 =	vsel vm0, $0x1, v0  }
0x15a: {  	[tilespmem:s5+$0x20] =	vst v2  }
0x15b: {  	v2 =	vld [tilespmem:s2+$0x30];
	_ =	sdelay $0x2  }
.Ltmp6:
0x15c: {  	(pc) =	sbr.rel @p1 .LBB2_12-.Ltmp6, $4  }
0x15d: {  	_ = 	snop  }
0x15e: {  	vm0 =	vgt.f32 v2, $9.999999770e-03  }
0x15f: {  	v2 =	vsel vm0, $0x1, v0  }
0x160: {  	s2 =	sadd.s32 $0x80, s2;
	[tilespmem:s5+$0x30] =	vst v2  }
.Ltmp7:
0x161: {  	_ = 	snop;
	(pc) =	sbr.rel .LBB2_13-.Ltmp7, $1  }
0x162: {  	_ =	sdelay $0x3  }
.LBB2_2:
0x163: {  	s1 =	simm.s32 $0xE040  }
0x164: {  	[tilespmem:s1+$0xFFFFFFC0] =	vst v1  }
0x165: {  	[tilespmem:s1+$0x30] =	vst v1  }
0x166: {  	[tilespmem:s1+$0x20] =	vst v1  }
0x167: {  	[tilespmem:s1+$0x10] =	vst v1  }
0x168: {  	[tilespmem:s1+$0x0] =	vst v1  }
0x169: {  	[tilespmem:s1+$0xFFFFFFF0] =	vst v1  }
0x16a: {  	s2 =	simm.s32 $0x0;
	[tilespmem:s1+$0xFFFFFFE0] =	vst v1  }
.LBB2_3:
0x16b: {  	s2 =	sadd.s32 $0x8, s2;
	[tilespmem:s1+$0xFFFFFFD0] =	vst v1;
	s1 =	sadd.s32 $0x80, s1  }
0x16c: {  	[tilespmem:s1+$0xFFFFFFC0] =	vst v1;
	p1 =	slt.u32 s2, $0xF8  }
0x16d: {  	[tilespmem:s1+$0x30] =	vst v1  }
.Ltmp8:
0x16e: {  	[tilespmem:s1+$0x20] =	vst v1;
	(pc) =	sbr.rel @p1 .LBB2_3-.Ltmp8, $4  }
0x16f: {  	[tilespmem:s1+$0x10] =	vst v1  }
0x170: {  	[tilespmem:s1+$0x0] =	vst v1  }
0x171: {  	[tilespmem:s1+$0xFFFFFFF0] =	vst v1  }
0x172: {  	[tilespmem:s1+$0xFFFFFFE0] =	vst v1  }
0x173: {  	[tilespmem:s1+$0xFFFFFFD0] =	vst v1  }
0x174: {  	_ =	swait.ge [sflag:s30], $0x400  }
0x175: {  	[sflag:s30] =	ssyncset.done $0x0  }
0x176: {  	[sflag:s30] =	ssyncadd.s32 $0xFFFFFC00  }
0x177: {  	[bflag:$0x0] =	sbarrier.arrive $0xFFFF  }
0x178: {  	_ =	swait.ge [sflag:s31], $0x1000  }
0x179: {  	[sflag:s31] =	ssyncset.done $0x0  }
0x17a: {  	[sflag:s31] =	ssyncadd.s32 $0xFFFFF000  }
0x17b: {  	_ =	swait.ge [sflag:s31], $0x1000  }
0x17c: {  	[sflag:s31] =	ssyncset.done $0x0  }
0x17d: {  	[sflag:s31] =	ssyncadd.s32 $0xFFFFF000  }
0x17e: {  	_ =	swait.ge [sflag:s31], $0x1000  }
0x17f: {  	[sflag:s31] =	ssyncset.done $0x0  }
0x180: {  	[sflag:s31] =	ssyncadd.s32 $0xFFFFF000  }
0x181: {  	_ =	swait.ge [sflag:s31], $0x1000  }
0x182: {  	[sflag:s31] =	ssyncset.done $0x0  }
0x183: {  	s2 =	simm.s32 $0xE000;
	[sflag:s31] =	ssyncadd.s32 $0xFFFFF000  }
0x184: {  	[spmem:s3] =	stream.indirect.scatter.add.s32 [tilespmem:s2], [sflag:$0x4], $0x1, s20, s0, $0xb8;
	[tilespmem:$0xF000] =	vst v63  }
.Ltmp9:
0x185: {  	_ = 	snop;
	(pc) =	sbr.rel .LBB2_14-.Ltmp9, $4  }
0x186: {  	_ = 	snop  }
0x187: {  	[spmem:s3] =	stream.indirect.scatter.add.s32 [tilespmem:s2], [sflag:$0x4], $0x1, s21, s0, $0xb8;
	[tilespmem:$0xF000] =	vst v63  }
0x188: {  	s1 =	rddreg [dreg:$0x1]  }
0x189: {  	[spmem:s3] =	stream.indirect.scatter.add.s32 [tilespmem:s2], [sflag:$0x4], $0x1, s22, s0, $0xb8;
	[tilespmem:$0xF000] =	vst v63  }
.LBB2_15:
0x18a: {  	_ =	sfence.sel $0x180000  }
0x18b: {  	[bflag:$0x0] =	sbarrier.arrive $0xFFFF  }
0x18c: {  	_ =	strace $0x90000047  }
0x18d: {  	s0 =	stileid.u32;
	[bflag:$0x2] =	sbarrier.arrive $0xFFFF  }
0x18e: {  	p0 =	sne.s32 s0, $0x0;
	s0 =	rddreg [dreg:$0x4]  }
0x18f: {  	s0 =	sadd.s32 @!p0 $0x100000, s0  }
0x190: {  	[sflag:s0] =	ssyncadd.tile.s32 @!p0 $0x1;
	_ =	shalt  }
.Lfunc_end2:
_tile_overlayer_lowered:
.L_overlay_start_2:
0x191: {  	(tag) =	ssettag $0x2  }
0x192: {  	s0 =	rddreg [dreg:$0x0];
	s2 =	stileid.u32  }
0x193: {  	s1 =	rddreg [dreg:$0x1];
	p0 =	sne.s32 s2, $0x0  }
0x194: {  	s3 =	rddreg [dreg:$0x2];
	[bflag:$0x3] =	sbarrier.arrive $0xFFFF;
	s2 =	simm.s32 @!p0 $0x1C05  }
0x195: {  	[timem:s3], [sflag:s2] =	dma.local @!p0 [hbm:s0], s1  }
0x196: {  	s0 =	simm.s32 @!p0 $0x5  }
0x197: {  	_ =	swait.ge @!p0 [sflag:s0], s1  }
0x198: {  	s1 =	ssub.s32 @!p0 $0x0, s1;
	[sflag:s0] =	ssyncset.done @!p0 $0x0  }
0x199: {  	[sflag:s0] =	ssyncadd.s32 @!p0 s1  }
0x19a: {  	[bflag:$0x3] =	sbarrier.arrive $0xFFFF  }
0x19b: {  	_ =	shalt  }

</sc_bundles>
